<compile_context>
chip_gen: v7x
topology: tpu7x:2x2x1
jax: 0.10.2.dev20260603
libtpu: 0.0.44.dev20260713+nightly
codegen_flags: <defaults>
</compile_context>

<pallas_src>
import jax
import jax.numpy as jnp
from jax import lax
from jax.experimental import pallas as pl
from jax.experimental.pallas import tpu as pltpu
from jax.experimental.pallas import tpu_sc as plsc

_B = 16384
_S = 512
_N = _B * _S
_NC = 2
_NS = 16
_NW = _NC * _NS
_PER_W = _N // _NW
_ROWS_W = _PER_W // _S
_CHUNK = 16384
_CROWS = _CHUNK // _S
_NCHUNK = _PER_W // _CHUNK
_L = 16
_NACC = 2

_TBLK = 65536
_TGRID = _N // _TBLK


def _sc_body(sens_hbm, out_hbm, part_hbm,
             sens0, sens1, out0, out1, part_v, si0, si1, so0, so1):
    wid = lax.axis_index("s") * _NC + lax.axis_index("c")
    base = wid * _PER_W
    row0 = wid * _ROWS_W
    sens_b = (sens0, sens1)
    out_b = (out0, out1)
    si = (si0, si1)
    so = (so0, so1)

    def start_in(k, b):
        off = base + k * _CHUNK
        pltpu.make_async_copy(sens_hbm.at[pl.ds(off, _CHUNK)], sens_b[b], si[b]).start()

    def wait_in(b):
        pltpu.make_async_copy(sens_hbm.at[pl.ds(0, _CHUNK)], sens_b[b], si[b]).wait()

    def wait_out(b):
        pltpu.make_async_copy(out_b[b], out_hbm.at[pl.ds(0, _CROWS)], so[b]).wait()

    start_in(0, 0)
    start_in(1, 1)

    def outer(j, accs):
        for b in range(2):
            k = 2 * j + b
            wait_in(b)

            @pl.when(j > 0)
            def _():
                wait_out(b)

            sens_v, out_v = sens_b[b], out_b[b]

            @plsc.parallel_loop(0, _CHUNK, step=_L * _NACC, unroll=16, carry=accs)
            def accs(i, a):
                res = list(a)
                r = i // _S
                c0 = i % _S
                for u in range(_NACC):
                    s = sens_v[pl.ds(i + u * _L, _L)]
                    bin_ = jnp.where(s > 0.5, 1.0, 0.0).astype(jnp.float32)
                    out_v[r, pl.ds(c0 + u * _L, _L)] = bin_
                    res[u] = res[u] + bin_
                return tuple(res)

            pltpu.make_async_copy(
                out_b[b], out_hbm.at[pl.ds(row0 + k * _CROWS, _CROWS)], so[b]).start()

            @pl.when(j < _NCHUNK // 2 - 1)
            def _():
                start_in(k + 2, b)
        return accs

    zeros = jnp.zeros((_L,), jnp.float32)
    accs = lax.fori_loop(0, _NCHUNK // 2, outer, (zeros,) * _NACC)
    wait_out(0)
    wait_out(1)
    acc = accs[0]
    for u in range(1, _NACC):
        acc = acc + accs[u]
    part_v[...] = acc
    pltpu.sync_copy(part_v, part_hbm.at[wid])


def _tc_body(bas_ref, acc_ref):
    i = pl.program_id(0)

    @pl.when(i == 0)
    def _():
        acc_ref[...] = jnp.zeros((8, 128), jnp.float32)

    feat = jnp.where(bas_ref[...].reshape(_TBLK // 128, 128) > 0.0, 1.0, 0.0)
    part = acc_ref[...]
    for q in range(_TBLK // 128 // 8):
        part = part + feat[q * 8:(q + 1) * 8, :]
    acc_ref[...] = part


def kernel(sensory_input, basal_features, branches_synapses):
    del branches_synapses
    mesh = plsc.VectorSubcoreMesh(core_axis_name="c", subcore_axis_name="s")
    new_mem, sc_parts = pl.kernel(
        _sc_body,
        out_type=[
            jax.ShapeDtypeStruct((_B, _S), jnp.float32),
            jax.ShapeDtypeStruct((_NW, _L), jnp.float32),
        ],
        mesh=mesh,
        scratch_types=[
            pltpu.VMEM((_CHUNK,), jnp.float32),
            pltpu.VMEM((_CHUNK,), jnp.float32),
            pltpu.VMEM((_CROWS, _S), jnp.float32),
            pltpu.VMEM((_CROWS, _S), jnp.float32),
            pltpu.VMEM((_L,), jnp.float32),
            pltpu.SemaphoreType.DMA,
            pltpu.SemaphoreType.DMA,
            pltpu.SemaphoreType.DMA,
            pltpu.SemaphoreType.DMA,
        ],
    )(sensory_input)

    tc_psums = pl.pallas_call(
        _tc_body,
        grid=(_TGRID,),
        in_specs=[pl.BlockSpec((_TBLK,), lambda i: (i,))],
        out_specs=pl.BlockSpec((8, 128), lambda i: (0, 0)),
        out_shape=jax.ShapeDtypeStruct((8, 128), jnp.float32),
    )(basal_features)

    soma_rate = (jnp.sum(sc_parts) - jnp.sum(tc_psums)).astype(jnp.int32)
    return new_mem, soma_rate

# --- scband reference (transcript-rebuilt; emitter-appended) ---
"""Pipeline reference for scband-pyramidal-neuron-8358006358520 (READ-ONLY COPY).

The authoritative reference and input builder live on the scoring server;
editing this copy changes nothing except your own understanding.
"""

import jax, jax.numpy as jnp
import numpy as np

BRANCHES = 16384
BRANCH_SIZE = 512
IN_DIM = BRANCHES * BRANCH_SIZE


def setup_inputs(seed: int = 0) -> dict:
    key = jax.random.key(seed)
    k1, k2 = jax.random.split(key)
    sensory_input = jax.random.uniform(k1, (IN_DIM,), dtype=jnp.float32)
    basal_features = jax.random.uniform(k2, (IN_DIM,), dtype=jnp.float32)
    # persistent synapse memory state (module buffer), initialized to zeros as in __init__
    branches_synapses = jnp.zeros((BRANCHES, BRANCH_SIZE), dtype=jnp.float32)
    return {
        "sensory_input": sensory_input,
        "basal_features": basal_features,
        "branches_synapses": branches_synapses,
    }


def reference(sensory_input, basal_features, branches_synapses):
    B, S = branches_synapses.shape
    # --- plasticity: scatter-overwrite 1.0 into synapse memory at active input positions ---
    # torch: branch_synapses[torch.where(sensory > 0)[0]] = 1, with sensory = (input > 0.5).float()
    binary = (sensory_input > 0.5).astype(jnp.float32).reshape(B, S)
    # equivalent to mem.at[active_idx].set(1.0) per branch (mask form is shape-static/jittable)
    new_mem = jnp.where(binary > 0, jnp.float32(1.0), branches_synapses)
    # --- propagate_to_soma: per-branch correctness = |active synapses| - |active features| ---
    basal = basal_features.reshape(B, S)
    n_syn = jnp.sum((new_mem > 0).astype(jnp.int32), axis=1)
    n_feat = jnp.sum((basal > 0).astype(jnp.int32), axis=1)
    soma_rate = jnp.sum(n_syn - n_feat)
    return new_mem, soma_rate

if __name__ == "__main__":
    import jax
    _d = setup_inputs()
    print(jax.jit(kernel)(*tuple(_d.values())))

</pallas_src>

<mosaic_0001>
#map = affine_map<(d0, d1) -> (0)>
#map1 = affine_map<(d0, d1) -> (0, 0)>
module attributes {stable_mosaic.version = 14 : i64} {
  func.func @_sc_body(%arg0: i32, %arg1: i32, %arg2: memref<8388608xf32, #tpu.memory_space<hbm>>, %arg3: memref<16384x512xf32, #tpu.memory_space<hbm>>, %arg4: memref<32x16xf32, #tpu.memory_space<hbm>>, %arg5: memref<16384xf32, #tpu.memory_space<vmem>>, %arg6: memref<16384xf32, #tpu.memory_space<vmem>>, %arg7: memref<32x512xf32, #tpu.memory_space<vmem>>, %arg8: memref<32x512xf32, #tpu.memory_space<vmem>>, %arg9: memref<16xf32, #tpu.memory_space<vmem>>, %arg10: memref<!tpu.dma_semaphore, #tpu.memory_space<semaphore_mem>>, %arg11: memref<!tpu.dma_semaphore, #tpu.memory_space<semaphore_mem>>, %arg12: memref<!tpu.dma_semaphore, #tpu.memory_space<semaphore_mem>>, %arg13: memref<!tpu.dma_semaphore, #tpu.memory_space<semaphore_mem>>) attributes {dimension_semantics = [#tpu.dimension_semantics<core_parallel>, #tpu.dimension_semantics<subcore_parallel>], iteration_bounds = array<i64: 2, 16>, scalar_prefetch = 0 : i64, scratch_operands = 9 : i64, tpu.core_type = #tpu.core_type<sc_vector_subcore>, window_params = [{transform_indices = #map}, {transform_indices = #map1}, {transform_indices = #map1}]} {
    %mul3A = arith.constant 2 : i32
    %mul3A_0 = arith.muli %arg1, %mul3A : i32
    %add3A = arith.addi %mul3A_0, %arg0 : i32
    %mul3A_1 = arith.constant 262144 : i32
    %mul3A_2 = arith.muli %add3A, %mul3A_1 : i32
    %mul3A_3 = arith.constant 512 : i32
    %mul3A_4 = arith.muli %add3A, %mul3A_3 : i32
    %add3A_5 = arith.constant 0 : i32
    %add3A_6 = arith.addi %mul3A_2, %add3A_5 : i32
    %dma_start3A = tpu.memref_slice %arg2[%add3A_6] : memref<8388608xf32, #tpu.memory_space<hbm>> -> memref<16384xf32, #tpu.memory_space<hbm>>
    %dma_start3A_7 = tpu.memref_slice %arg2[%add3A_6] : memref<8388608xf32, #tpu.memory_space<hbm>> -> memref<16384xf32, #tpu.memory_space<hbm>>
    tpu.enqueue_dma source(%dma_start3A_7 : memref<16384xf32, #tpu.memory_space<hbm>>) target(%arg5 : memref<16384xf32, #tpu.memory_space<vmem>>) target_semaphore(%arg10 : memref<!tpu.dma_semaphore, #tpu.memory_space<semaphore_mem>>)
    %add3A_8 = arith.constant 16384 : i32
    %add3A_9 = arith.addi %mul3A_2, %add3A_8 : i32
    %dma_start3A_10 = tpu.memref_slice %arg2[%add3A_9] : memref<8388608xf32, #tpu.memory_space<hbm>> -> memref<16384xf32, #tpu.memory_space<hbm>>
    %dma_start3A_11 = tpu.memref_slice %arg2[%add3A_9] : memref<8388608xf32, #tpu.memory_space<hbm>> -> memref<16384xf32, #tpu.memory_space<hbm>>
    tpu.enqueue_dma source(%dma_start3A_11 : memref<16384xf32, #tpu.memory_space<hbm>>) target(%arg6 : memref<16384xf32, #tpu.memory_space<vmem>>) target_semaphore(%arg11 : memref<!tpu.dma_semaphore, #tpu.memory_space<semaphore_mem>>)
    %broadcast_in_dim3A = arith.constant 0.000000e+00 : f32
    %broadcast_in_dim3A_12 = vector.broadcast %broadcast_in_dim3A : f32 to vector<16xf32>
    %scan3A = arith.constant 0 : i32
    %scan3A_13 = arith.constant 8 : i32
    %scan3A_14 = arith.addi %scan3A, %scan3A_13 : i32
    %scan3A_15 = arith.constant 1 : i32
    %scan3A_16:2 = scf.for %scan3A_33 = %scan3A to %scan3A_14 step %scan3A_15 iter_args(%scan3A_34 = %broadcast_in_dim3A_12, %scan3A_35 = %broadcast_in_dim3A_12) -> (vector<16xf32>, vector<16xf32>)  : i32 {
      %mul3A_36 = arith.constant 2 : i32
      %mul3A_37 = arith.muli %mul3A_36, %scan3A_33 : i32
      %add3A_38 = arith.constant 0 : i32
      %add3A_39 = arith.addi %mul3A_37, %add3A_38 : i32
      %dma_wait3A_40 = arith.constant 0 : i32
      %dma_wait3A_41 = tpu.memref_slice %arg2[%dma_wait3A_40] : memref<8388608xf32, #tpu.memory_space<hbm>> -> memref<16384xf32, #tpu.memory_space<hbm>>
      %dma_wait3A_42 = arith.constant 0 : i32
      %dma_wait3A_43 = tpu.memref_slice %arg2[%dma_wait3A_42] : memref<8388608xf32, #tpu.memory_space<hbm>> -> memref<16384xf32, #tpu.memory_space<hbm>>
      tpu.wait_dma2 semaphore(%arg10 : memref<!tpu.dma_semaphore, #tpu.memory_space<semaphore_mem>>) src(%dma_wait3A_43 : memref<16384xf32, #tpu.memory_space<hbm>>) dst(%arg5 : memref<16384xf32, #tpu.memory_space<vmem>>)
      %gt3A = arith.constant 0 : i32
      %gt3A_44 = arith.cmpi sgt, %scan3A_33, %gt3A : i32
      %convert_element_type3A = arith.extui %gt3A_44 : i1 to i32
      %cond3A = arith.constant 0 : i32
      %cond3A_45 = arith.cmpi ne, %convert_element_type3A, %cond3A : i32
      scf.if %cond3A_45 {
        %dma_wait3A_89 = arith.constant 0 : i32
        %dma_wait3A_90 = arith.constant 0 : i32
        %dma_wait3A_91 = tpu.memref_slice %arg3[%dma_wait3A_89, %dma_wait3A_90] : memref<16384x512xf32, #tpu.memory_space<hbm>> -> memref<32x512xf32, #tpu.memory_space<hbm>>
        %dma_wait3A_92 = arith.constant 0 : i32
        %dma_wait3A_93 = arith.constant 0 : i32
        %dma_wait3A_94 = tpu.memref_slice %arg3[%dma_wait3A_92, %dma_wait3A_93] : memref<16384x512xf32, #tpu.memory_space<hbm>> -> memref<32x512xf32, #tpu.memory_space<hbm>>
        tpu.wait_dma2 semaphore(%arg12 : memref<!tpu.dma_semaphore, #tpu.memory_space<semaphore_mem>>) src(%arg7 : memref<32x512xf32, #tpu.memory_space<vmem>>) dst(%dma_wait3A_94 : memref<32x512xf32, #tpu.memory_space<hbm>>)
      } else {
      }
      %parallel_loop3A = arith.constant 0 : i32
      %parallel_loop3A_46 = arith.constant 16384 : i32
      %parallel_loop3A_47 = arith.constant 32 : i32
      %parallel_loop3A_48:2 = scf.for %parallel_loop3A_89 = %parallel_loop3A to %parallel_loop3A_46 step %parallel_loop3A_47 iter_args(%parallel_loop3A_90 = %scan3A_34, %parallel_loop3A_91 = %scan3A_35) -> (vector<16xf32>, vector<16xf32>)  : i32 {
        %parallel_loop3A_92 = arith.constant 512 : i32
        %parallel_loop3A_93 = arith.divsi %parallel_loop3A_89, %parallel_loop3A_92 : i32
        %parallel_loop3A_94 = arith.constant 0 : i32
        %parallel_loop3A_95 = arith.cmpi sgt, %parallel_loop3A_89, %parallel_loop3A_94 : i32
        %parallel_loop3A_96 = arith.extui %parallel_loop3A_95 : i1 to i32
        %parallel_loop3A_97 = arith.constant 0 : i32
        %parallel_loop3A_98 = arith.cmpi slt, %parallel_loop3A_89, %parallel_loop3A_97 : i32
        %parallel_loop3A_99 = arith.extui %parallel_loop3A_98 : i1 to i32
        %parallel_loop3A_100 = arith.subi %parallel_loop3A_96, %parallel_loop3A_99 : i32
        %parallel_loop3A_101 = arith.constant 0 : i32
        %parallel_loop3A_102 = arith.cmpi sgt, %parallel_loop3A_92, %parallel_loop3A_101 : i32
        %parallel_loop3A_103 = arith.extui %parallel_loop3A_102 : i1 to i32
        %parallel_loop3A_104 = arith.constant 0 : i32
        %parallel_loop3A_105 = arith.cmpi slt, %parallel_loop3A_92, %parallel_loop3A_104 : i32
        %parallel_loop3A_106 = arith.extui %parallel_loop3A_105 : i1 to i32
        %parallel_loop3A_107 = arith.subi %parallel_loop3A_103, %parallel_loop3A_106 : i32
        %parallel_loop3A_108 = arith.cmpi ne, %parallel_loop3A_100, %parallel_loop3A_107 : i32
        %parallel_loop3A_109 = arith.remsi %parallel_loop3A_89, %parallel_loop3A_92 : i32
        %parallel_loop3A_110 = arith.constant 0 : i32
        %parallel_loop3A_111 = arith.cmpi ne, %parallel_loop3A_109, %parallel_loop3A_110 : i32
        %parallel_loop3A_112 = arith.andi %parallel_loop3A_108, %parallel_loop3A_111 : i1
        %parallel_loop3A_113 = arith.constant 1 : i32
        %parallel_loop3A_114 = arith.subi %parallel_loop3A_93, %parallel_loop3A_113 : i32
        %parallel_loop3A_115 = arith.select %parallel_loop3A_112, %parallel_loop3A_114, %parallel_loop3A_93 : i32
        %parallel_loop3A_116 = arith.constant 512 : i32
        %parallel_loop3A_117 = arith.constant 0 : i32
        %parallel_loop3A_118 = arith.cmpi eq, %parallel_loop3A_116, %parallel_loop3A_117 : i32
        %parallel_loop3A_119 = arith.constant 1 : i32
        %parallel_loop3A_120 = arith.select %parallel_loop3A_118, %parallel_loop3A_119, %parallel_loop3A_116 : i32
        %parallel_loop3A_121 = arith.remsi %parallel_loop3A_89, %parallel_loop3A_120 : i32
        %parallel_loop3A_122 = arith.constant 0 : i32
        %parallel_loop3A_123 = arith.cmpi ne, %parallel_loop3A_121, %parallel_loop3A_122 : i32
        %parallel_loop3A_124 = arith.constant 0 : i32
        %parallel_loop3A_125 = arith.cmpi slt, %parallel_loop3A_121, %parallel_loop3A_124 : i32
        %parallel_loop3A_126 = arith.constant 0 : i32
        %parallel_loop3A_127 = arith.cmpi slt, %parallel_loop3A_120, %parallel_loop3A_126 : i32
        %parallel_loop3A_128 = arith.xori %parallel_loop3A_125, %parallel_loop3A_127 : i1
        %parallel_loop3A_129 = arith.andi %parallel_loop3A_128, %parallel_loop3A_123 : i1
        %parallel_loop3A_130 = arith.addi %parallel_loop3A_121, %parallel_loop3A_120 : i32
        %parallel_loop3A_131 = arith.select %parallel_loop3A_129, %parallel_loop3A_130, %parallel_loop3A_121 : i32
        %parallel_loop3A_132 = arith.constant 0 : i32
        %parallel_loop3A_133 = arith.addi %parallel_loop3A_89, %parallel_loop3A_132 : i32
        %parallel_loop3A_134 = arith.index_cast %parallel_loop3A_133 : i32 to index
        %parallel_loop3A_135 = tpu.vector_load %arg5[%parallel_loop3A_134] {strides = array<i32>} : memref<16384xf32, #tpu.memory_space<vmem>>, vector<16xf32>,
        %parallel_loop3A_136 = vector.shape_cast %parallel_loop3A_135 : vector<16xf32> to vector<16xf32>
        %parallel_loop3A_137 = arith.constant 5.000000e-01 : f32
        %parallel_loop3A_138 = vector.broadcast %parallel_loop3A_137 : f32 to vector<16xf32>
        %parallel_loop3A_139 = arith.cmpf ogt, %parallel_loop3A_136, %parallel_loop3A_138 : vector<16xf32>
        %parallel_loop3A_140 = arith.constant 1.000000e+00 : f32
        %parallel_loop3A_141 = arith.constant 0.000000e+00 : f32
        %parallel_loop3A_142 = vector.broadcast %parallel_loop3A_140 : f32 to vector<16xf32>
        %parallel_loop3A_143 = vector.broadcast %parallel_loop3A_141 : f32 to vector<16xf32>
        %parallel_loop3A_144 = arith.select %parallel_loop3A_139, %parallel_loop3A_142, %parallel_loop3A_143 : vector<16xi1>, vector<16xf32>
        %parallel_loop3A_145 = arith.constant 0 : i32
        %parallel_loop3A_146 = arith.addi %parallel_loop3A_131, %parallel_loop3A_145 : i32
        %parallel_loop3A_147 = arith.index_cast %parallel_loop3A_115 : i32 to index
        %parallel_loop3A_148 = arith.index_cast %parallel_loop3A_146 : i32 to index
        %parallel_loop3A_149 = tpu.vector_load %arg7[%parallel_loop3A_147, %parallel_loop3A_148] {strides = array<i32>} : memref<32x512xf32, #tpu.memory_space<vmem>>, vector<1x16xf32>,
        %parallel_loop3A_150 = vector.shape_cast %parallel_loop3A_149 : vector<1x16xf32> to vector<16xf32>
        %parallel_loop3A_151 = vector.shape_cast %parallel_loop3A_144 : vector<16xf32> to vector<1x16xf32>
        tpu.vector_store %arg7[%parallel_loop3A_147, %parallel_loop3A_148], %parallel_loop3A_151 {strides = array<i32>} : memref<32x512xf32, #tpu.memory_space<vmem>>, vector<1x16xf32>,
        %parallel_loop3A_152 = arith.addf %parallel_loop3A_90, %parallel_loop3A_144 : vector<16xf32>
        %parallel_loop3A_153 = arith.constant 16 : i32
        %parallel_loop3A_154 = arith.addi %parallel_loop3A_89, %parallel_loop3A_153 : i32
        %parallel_loop3A_155 = arith.index_cast %parallel_loop3A_154 : i32 to index
        %parallel_loop3A_156 = tpu.vector_load %arg5[%parallel_loop3A_155] {strides = array<i32>} : memref<16384xf32, #tpu.memory_space<vmem>>, vector<16xf32>,
        %parallel_loop3A_157 = vector.shape_cast %parallel_loop3A_156 : vector<16xf32> to vector<16xf32>
        %parallel_loop3A_158 = arith.constant 5.000000e-01 : f32
        %parallel_loop3A_159 = vector.broadcast %parallel_loop3A_158 : f32 to vector<16xf32>
        %parallel_loop3A_160 = arith.cmpf ogt, %parallel_loop3A_157, %parallel_loop3A_159 : vector<16xf32>
        %parallel_loop3A_161 = arith.constant 1.000000e+00 : f32
        %parallel_loop3A_162 = arith.constant 0.000000e+00 : f32
        %parallel_loop3A_163 = vector.broadcast %parallel_loop3A_161 : f32 to vector<16xf32>
        %parallel_loop3A_164 = vector.broadcast %parallel_loop3A_162 : f32 to vector<16xf32>
        %parallel_loop3A_165 = arith.select %parallel_loop3A_160, %parallel_loop3A_163, %parallel_loop3A_164 : vector<16xi1>, vector<16xf32>
        %parallel_loop3A_166 = arith.constant 16 : i32
        %parallel_loop3A_167 = arith.addi %parallel_loop3A_131, %parallel_loop3A_166 : i32
        %parallel_loop3A_168 = arith.index_cast %parallel_loop3A_115 : i32 to index
        %parallel_loop3A_169 = arith.index_cast %parallel_loop3A_167 : i32 to index
        %parallel_loop3A_170 = tpu.vector_load %arg7[%parallel_loop3A_168, %parallel_loop3A_169] {strides = array<i32>} : memref<32x512xf32, #tpu.memory_space<vmem>>, vector<1x16xf32>,
        %parallel_loop3A_171 = vector.shape_cast %parallel_loop3A_170 : vector<1x16xf32> to vector<16xf32>
        %parallel_loop3A_172 = vector.shape_cast %parallel_loop3A_165 : vector<16xf32> to vector<1x16xf32>
        tpu.vector_store %arg7[%parallel_loop3A_168, %parallel_loop3A_169], %parallel_loop3A_172 {strides = array<i32>} : memref<32x512xf32, #tpu.memory_space<vmem>>, vector<1x16xf32>,
        %parallel_loop3A_173 = arith.addf %parallel_loop3A_91, %parallel_loop3A_165 : vector<16xf32>
        scf.yield %parallel_loop3A_152, %parallel_loop3A_173 : vector<16xf32>, vector<16xf32>
      } {sc.loop_unroll_factor = 16 : i64, sc.parallel_access}
      %mul3A_49 = arith.constant 32 : i32
      %mul3A_50 = arith.muli %add3A_39, %mul3A_49 : i32
      %add3A_51 = arith.addi %mul3A_4, %mul3A_50 : i32
      %dma_start3A_52 = arith.constant 0 : i32
      %dma_start3A_53 = tpu.memref_slice %arg3[%add3A_51, %dma_start3A_52] : memref<16384x512xf32, #tpu.memory_space<hbm>> -> memref<32x512xf32, #tpu.memory_space<hbm>>
      %dma_start3A_54 = arith.constant 0 : i32
      %dma_start3A_55 = tpu.memref_slice %arg3[%add3A_51, %dma_start3A_54] : memref<16384x512xf32, #tpu.memory_space<hbm>> -> memref<32x512xf32, #tpu.memory_space<hbm>>
      tpu.enqueue_dma source(%arg7 : memref<32x512xf32, #tpu.memory_space<vmem>>) target(%dma_start3A_55 : memref<32x512xf32, #tpu.memory_space<hbm>>) target_semaphore(%arg12 : memref<!tpu.dma_semaphore, #tpu.memory_space<semaphore_mem>>)
      %lt3A = arith.constant 7 : i32
      %lt3A_56 = arith.cmpi slt, %scan3A_33, %lt3A : i32
      %convert_element_type3A_57 = arith.extui %lt3A_56 : i1 to i32
      %cond3A_58 = arith.constant 0 : i32
      %cond3A_59 = arith.cmpi ne, %convert_element_type3A_57, %cond3A_58 : i32
      scf.if %cond3A_59 {
        %add3A_89 = arith.constant 2 : i32
        %add3A_90 = arith.addi %add3A_39, %add3A_89 : i32
        %mul3A_91 = arith.constant 16384 : i32
        %mul3A_92 = arith.muli %add3A_90, %mul3A_91 : i32
        %add3A_93 = arith.addi %mul3A_2, %mul3A_92 : i32
        %dma_start3A_94 = tpu.memref_slice %arg2[%add3A_93] : memref<8388608xf32, #tpu.memory_space<hbm>> -> memref<16384xf32, #tpu.memory_space<hbm>>
        %dma_start3A_95 = tpu.memref_slice %arg2[%add3A_93] : memref<8388608xf32, #tpu.memory_space<hbm>> -> memref<16384xf32, #tpu.memory_space<hbm>>
        tpu.enqueue_dma source(%dma_start3A_95 : memref<16384xf32, #tpu.memory_space<hbm>>) target(%arg5 : memref<16384xf32, #tpu.memory_space<vmem>>) target_semaphore(%arg10 : memref<!tpu.dma_semaphore, #tpu.memory_space<semaphore_mem>>)
      } else {
      }
      %mul3A_60 = arith.constant 2 : i32
      %mul3A_61 = arith.muli %mul3A_60, %scan3A_33 : i32
      %add3A_62 = arith.constant 1 : i32
      %add3A_63 = arith.addi %mul3A_61, %add3A_62 : i32
      %dma_wait3A_64 = arith.constant 0 : i32
      %dma_wait3A_65 = tpu.memref_slice %arg2[%dma_wait3A_64] : memref<8388608xf32, #tpu.memory_space<hbm>> -> memref<16384xf32, #tpu.memory_space<hbm>>
      %dma_wait3A_66 = arith.constant 0 : i32
      %dma_wait3A_67 = tpu.memref_slice %arg2[%dma_wait3A_66] : memref<8388608xf32, #tpu.memory_space<hbm>> -> memref<16384xf32, #tpu.memory_space<hbm>>
      tpu.wait_dma2 semaphore(%arg11 : memref<!tpu.dma_semaphore, #tpu.memory_space<semaphore_mem>>) src(%dma_wait3A_67 : memref<16384xf32, #tpu.memory_space<hbm>>) dst(%arg6 : memref<16384xf32, #tpu.memory_space<vmem>>)
      %gt3A_68 = arith.constant 0 : i32
      %gt3A_69 = arith.cmpi sgt, %scan3A_33, %gt3A_68 : i32
      %convert_element_type3A_70 = arith.extui %gt3A_69 : i1 to i32
      %cond3A_71 = arith.constant 0 : i32
      %cond3A_72 = arith.cmpi ne, %convert_element_type3A_70, %cond3A_71 : i32
      scf.if %cond3A_72 {
        %dma_wait3A_89 = arith.constant 0 : i32
        %dma_wait3A_90 = arith.constant 0 : i32
        %dma_wait3A_91 = tpu.memref_slice %arg3[%dma_wait3A_89, %dma_wait3A_90] : memref<16384x512xf32, #tpu.memory_space<hbm>> -> memref<32x512xf32, #tpu.memory_space<hbm>>
        %dma_wait3A_92 = arith.constant 0 : i32
        %dma_wait3A_93 = arith.constant 0 : i32
        %dma_wait3A_94 = tpu.memref_slice %arg3[%dma_wait3A_92, %dma_wait3A_93] : memref<16384x512xf32, #tpu.memory_space<hbm>> -> memref<32x512xf32, #tpu.memory_space<hbm>>
        tpu.wait_dma2 semaphore(%arg13 : memref<!tpu.dma_semaphore, #tpu.memory_space<semaphore_mem>>) src(%arg8 : memref<32x512xf32, #tpu.memory_space<vmem>>) dst(%dma_wait3A_94 : memref<32x512xf32, #tpu.memory_space<hbm>>)
      } else {
      }
      %parallel_loop3A_73 = arith.constant 0 : i32
      %parallel_loop3A_74 = arith.constant 16384 : i32
      %parallel_loop3A_75 = arith.constant 32 : i32
      %parallel_loop3A_76:2 = scf.for %parallel_loop3A_89 = %parallel_loop3A_73 to %parallel_loop3A_74 step %parallel_loop3A_75 iter_args(%parallel_loop3A_90 = %parallel_loop3A_48#0, %parallel_loop3A_91 = %parallel_loop3A_48#1) -> (vector<16xf32>, vector<16xf32>)  : i32 {
        %parallel_loop3A_92 = arith.constant 512 : i32
        %parallel_loop3A_93 = arith.divsi %parallel_loop3A_89, %parallel_loop3A_92 : i32
        %parallel_loop3A_94 = arith.constant 0 : i32
        %parallel_loop3A_95 = arith.cmpi sgt, %parallel_loop3A_89, %parallel_loop3A_94 : i32
        %parallel_loop3A_96 = arith.extui %parallel_loop3A_95 : i1 to i32
        %parallel_loop3A_97 = arith.constant 0 : i32
        %parallel_loop3A_98 = arith.cmpi slt, %parallel_loop3A_89, %parallel_loop3A_97 : i32
        %parallel_loop3A_99 = arith.extui %parallel_loop3A_98 : i1 to i32
        %parallel_loop3A_100 = arith.subi %parallel_loop3A_96, %parallel_loop3A_99 : i32
        %parallel_loop3A_101 = arith.constant 0 : i32
        %parallel_loop3A_102 = arith.cmpi sgt, %parallel_loop3A_92, %parallel_loop3A_101 : i32
        %parallel_loop3A_103 = arith.extui %parallel_loop3A_102 : i1 to i32
        %parallel_loop3A_104 = arith.constant 0 : i32
        %parallel_loop3A_105 = arith.cmpi slt, %parallel_loop3A_92, %parallel_loop3A_104 : i32
        %parallel_loop3A_106 = arith.extui %parallel_loop3A_105 : i1 to i32
        %parallel_loop3A_107 = arith.subi %parallel_loop3A_103, %parallel_loop3A_106 : i32
        %parallel_loop3A_108 = arith.cmpi ne, %parallel_loop3A_100, %parallel_loop3A_107 : i32
        %parallel_loop3A_109 = arith.remsi %parallel_loop3A_89, %parallel_loop3A_92 : i32
        %parallel_loop3A_110 = arith.constant 0 : i32
        %parallel_loop3A_111 = arith.cmpi ne, %parallel_loop3A_109, %parallel_loop3A_110 : i32
        %parallel_loop3A_112 = arith.andi %parallel_loop3A_108, %parallel_loop3A_111 : i1
        %parallel_loop3A_113 = arith.constant 1 : i32
        %parallel_loop3A_114 = arith.subi %parallel_loop3A_93, %parallel_loop3A_113 : i32
        %parallel_loop3A_115 = arith.select %parallel_loop3A_112, %parallel_loop3A_114, %parallel_loop3A_93 : i32
        %parallel_loop3A_116 = arith.constant 512 : i32
        %parallel_loop3A_117 = arith.constant 0 : i32
        %parallel_loop3A_118 = arith.cmpi eq, %parallel_loop3A_116, %parallel_loop3A_117 : i32
        %parallel_loop3A_119 = arith.constant 1 : i32
        %parallel_loop3A_120 = arith.select %parallel_loop3A_118, %parallel_loop3A_119, %parallel_loop3A_116 : i32
        %parallel_loop3A_121 = arith.remsi %parallel_loop3A_89, %parallel_loop3A_120 : i32
        %parallel_loop3A_122 = arith.constant 0 : i32
        %parallel_loop3A_123 = arith.cmpi ne, %parallel_loop3A_121, %parallel_loop3A_122 : i32
        %parallel_loop3A_124 = arith.constant 0 : i32
        %parallel_loop3A_125 = arith.cmpi slt, %parallel_loop3A_121, %parallel_loop3A_124 : i32
        %parallel_loop3A_126 = arith.constant 0 : i32
        %parallel_loop3A_127 = arith.cmpi slt, %parallel_loop3A_120, %parallel_loop3A_126 : i32
        %parallel_loop3A_128 = arith.xori %parallel_loop3A_125, %parallel_loop3A_127 : i1
        %parallel_loop3A_129 = arith.andi %parallel_loop3A_128, %parallel_loop3A_123 : i1
        %parallel_loop3A_130 = arith.addi %parallel_loop3A_121, %parallel_loop3A_120 : i32
        %parallel_loop3A_131 = arith.select %parallel_loop3A_129, %parallel_loop3A_130, %parallel_loop3A_121 : i32
        %parallel_loop3A_132 = arith.constant 0 : i32
        %parallel_loop3A_133 = arith.addi %parallel_loop3A_89, %parallel_loop3A_132 : i32
        %parallel_loop3A_134 = arith.index_cast %parallel_loop3A_133 : i32 to index
        %parallel_loop3A_135 = tpu.vector_load %arg6[%parallel_loop3A_134] {strides = array<i32>} : memref<16384xf32, #tpu.memory_space<vmem>>, vector<16xf32>,
        %parallel_loop3A_136 = vector.shape_cast %parallel_loop3A_135 : vector<16xf32> to vector<16xf32>
        %parallel_loop3A_137 = arith.constant 5.000000e-01 : f32
        %parallel_loop3A_138 = vector.broadcast %parallel_loop3A_137 : f32 to vector<16xf32>
        %parallel_loop3A_139 = arith.cmpf ogt, %parallel_loop3A_136, %parallel_loop3A_138 : vector<16xf32>
        %parallel_loop3A_140 = arith.constant 1.000000e+00 : f32
        %parallel_loop3A_141 = arith.constant 0.000000e+00 : f32
        %parallel_loop3A_142 = vector.broadcast %parallel_loop3A_140 : f32 to vector<16xf32>
        %parallel_loop3A_143 = vector.broadcast %parallel_loop3A_141 : f32 to vector<16xf32>
        %parallel_loop3A_144 = arith.select %parallel_loop3A_139, %parallel_loop3A_142, %parallel_loop3A_143 : vector<16xi1>, vector<16xf32>
        %parallel_loop3A_145 = arith.constant 0 : i32
        %parallel_loop3A_146 = arith.addi %parallel_loop3A_131, %parallel_loop3A_145 : i32
        %parallel_loop3A_147 = arith.index_cast %parallel_loop3A_115 : i32 to index
        %parallel_loop3A_148 = arith.index_cast %parallel_loop3A_146 : i32 to index
        %parallel_loop3A_149 = tpu.vector_load %arg8[%parallel_loop3A_147, %parallel_loop3A_148] {strides = array<i32>} : memref<32x512xf32, #tpu.memory_space<vmem>>, vector<1x16xf32>,
        %parallel_loop3A_150 = vector.shape_cast %parallel_loop3A_149 : vector<1x16xf32> to vector<16xf32>
        %parallel_loop3A_151 = vector.shape_cast %parallel_loop3A_144 : vector<16xf32> to vector<1x16xf32>
        tpu.vector_store %arg8[%parallel_loop3A_147, %parallel_loop3A_148], %parallel_loop3A_151 {strides = array<i32>} : memref<32x512xf32, #tpu.memory_space<vmem>>, vector<1x16xf32>,
        %parallel_loop3A_152 = arith.addf %parallel_loop3A_90, %parallel_loop3A_144 : vector<16xf32>
        %parallel_loop3A_153 = arith.constant 16 : i32
        %parallel_loop3A_154 = arith.addi %parallel_loop3A_89, %parallel_loop3A_153 : i32
        %parallel_loop3A_155 = arith.index_cast %parallel_loop3A_154 : i32 to index
        %parallel_loop3A_156 = tpu.vector_load %arg6[%parallel_loop3A_155] {strides = array<i32>} : memref<16384xf32, #tpu.memory_space<vmem>>, vector<16xf32>,
        %parallel_loop3A_157 = vector.shape_cast %parallel_loop3A_156 : vector<16xf32> to vector<16xf32>
        %parallel_loop3A_158 = arith.constant 5.000000e-01 : f32
        %parallel_loop3A_159 = vector.broadcast %parallel_loop3A_158 : f32 to vector<16xf32>
        %parallel_loop3A_160 = arith.cmpf ogt, %parallel_loop3A_157, %parallel_loop3A_159 : vector<16xf32>
        %parallel_loop3A_161 = arith.constant 1.000000e+00 : f32
        %parallel_loop3A_162 = arith.constant 0.000000e+00 : f32
        %parallel_loop3A_163 = vector.broadcast %parallel_loop3A_161 : f32 to vector<16xf32>
        %parallel_loop3A_164 = vector.broadcast %parallel_loop3A_162 : f32 to vector<16xf32>
        %parallel_loop3A_165 = arith.select %parallel_loop3A_160, %parallel_loop3A_163, %parallel_loop3A_164 : vector<16xi1>, vector<16xf32>
        %parallel_loop3A_166 = arith.constant 16 : i32
        %parallel_loop3A_167 = arith.addi %parallel_loop3A_131, %parallel_loop3A_166 : i32
        %parallel_loop3A_168 = arith.index_cast %parallel_loop3A_115 : i32 to index
        %parallel_loop3A_169 = arith.index_cast %parallel_loop3A_167 : i32 to index
        %parallel_loop3A_170 = tpu.vector_load %arg8[%parallel_loop3A_168, %parallel_loop3A_169] {strides = array<i32>} : memref<32x512xf32, #tpu.memory_space<vmem>>, vector<1x16xf32>,
        %parallel_loop3A_171 = vector.shape_cast %parallel_loop3A_170 : vector<1x16xf32> to vector<16xf32>
        %parallel_loop3A_172 = vector.shape_cast %parallel_loop3A_165 : vector<16xf32> to vector<1x16xf32>
        tpu.vector_store %arg8[%parallel_loop3A_168, %parallel_loop3A_169], %parallel_loop3A_172 {strides = array<i32>} : memref<32x512xf32, #tpu.memory_space<vmem>>, vector<1x16xf32>,
        %parallel_loop3A_173 = arith.addf %parallel_loop3A_91, %parallel_loop3A_165 : vector<16xf32>
        scf.yield %parallel_loop3A_152, %parallel_loop3A_173 : vector<16xf32>, vector<16xf32>
      } {sc.loop_unroll_factor = 16 : i64, sc.parallel_access}
      %mul3A_77 = arith.constant 32 : i32
      %mul3A_78 = arith.muli %add3A_63, %mul3A_77 : i32
      %add3A_79 = arith.addi %mul3A_4, %mul3A_78 : i32
      %dma_start3A_80 = arith.constant 0 : i32
      %dma_start3A_81 = tpu.memref_slice %arg3[%add3A_79, %dma_start3A_80] : memref<16384x512xf32, #tpu.memory_space<hbm>> -> memref<32x512xf32, #tpu.memory_space<hbm>>
      %dma_start3A_82 = arith.constant 0 : i32
      %dma_start3A_83 = tpu.memref_slice %arg3[%add3A_79, %dma_start3A_82] : memref<16384x512xf32, #tpu.memory_space<hbm>> -> memref<32x512xf32, #tpu.memory_space<hbm>>
      tpu.enqueue_dma source(%arg8 : memref<32x512xf32, #tpu.memory_space<vmem>>) target(%dma_start3A_83 : memref<32x512xf32, #tpu.memory_space<hbm>>) target_semaphore(%arg13 : memref<!tpu.dma_semaphore, #tpu.memory_space<semaphore_mem>>)
      %lt3A_84 = arith.constant 7 : i32
      %lt3A_85 = arith.cmpi slt, %scan3A_33, %lt3A_84 : i32
      %convert_element_type3A_86 = arith.extui %lt3A_85 : i1 to i32
      %cond3A_87 = arith.constant 0 : i32
      %cond3A_88 = arith.cmpi ne, %convert_element_type3A_86, %cond3A_87 : i32
      scf.if %cond3A_88 {
        %add3A_89 = arith.constant 2 : i32
        %add3A_90 = arith.addi %add3A_63, %add3A_89 : i32
        %mul3A_91 = arith.constant 16384 : i32
        %mul3A_92 = arith.muli %add3A_90, %mul3A_91 : i32
        %add3A_93 = arith.addi %mul3A_2, %mul3A_92 : i32
        %dma_start3A_94 = tpu.memref_slice %arg2[%add3A_93] : memref<8388608xf32, #tpu.memory_space<hbm>> -> memref<16384xf32, #tpu.memory_space<hbm>>
        %dma_start3A_95 = tpu.memref_slice %arg2[%add3A_93] : memref<8388608xf32, #tpu.memory_space<hbm>> -> memref<16384xf32, #tpu.memory_space<hbm>>
        tpu.enqueue_dma source(%dma_start3A_95 : memref<16384xf32, #tpu.memory_space<hbm>>) target(%arg6 : memref<16384xf32, #tpu.memory_space<vmem>>) target_semaphore(%arg11 : memref<!tpu.dma_semaphore, #tpu.memory_space<semaphore_mem>>)
      } else {
      }
      scf.yield %parallel_loop3A_76#0, %parallel_loop3A_76#1 : vector<16xf32>, vector<16xf32>
    }
    %scan3A_17 = arith.constant 8 : i32
    %dma_wait3A = arith.constant 0 : i32
    %dma_wait3A_18 = arith.constant 0 : i32
    %dma_wait3A_19 = tpu.memref_slice %arg3[%dma_wait3A, %dma_wait3A_18] : memref<16384x512xf32, #tpu.memory_space<hbm>> -> memref<32x512xf32, #tpu.memory_space<hbm>>
    %dma_wait3A_20 = arith.constant 0 : i32
    %dma_wait3A_21 = arith.constant 0 : i32
    %dma_wait3A_22 = tpu.memref_slice %arg3[%dma_wait3A_20, %dma_wait3A_21] : memref<16384x512xf32, #tpu.memory_space<hbm>> -> memref<32x512xf32, #tpu.memory_space<hbm>>
    tpu.wait_dma2 semaphore(%arg12 : memref<!tpu.dma_semaphore, #tpu.memory_space<semaphore_mem>>) src(%arg7 : memref<32x512xf32, #tpu.memory_space<vmem>>) dst(%dma_wait3A_22 : memref<32x512xf32, #tpu.memory_space<hbm>>)
    %dma_wait3A_23 = arith.constant 0 : i32
    %dma_wait3A_24 = arith.constant 0 : i32
    %dma_wait3A_25 = tpu.memref_slice %arg3[%dma_wait3A_23, %dma_wait3A_24] : memref<16384x512xf32, #tpu.memory_space<hbm>> -> memref<32x512xf32, #tpu.memory_space<hbm>>
    %dma_wait3A_26 = arith.constant 0 : i32
    %dma_wait3A_27 = arith.constant 0 : i32
    %dma_wait3A_28 = tpu.memref_slice %arg3[%dma_wait3A_26, %dma_wait3A_27] : memref<16384x512xf32, #tpu.memory_space<hbm>> -> memref<32x512xf32, #tpu.memory_space<hbm>>
    tpu.wait_dma2 semaphore(%arg13 : memref<!tpu.dma_semaphore, #tpu.memory_space<semaphore_mem>>) src(%arg8 : memref<32x512xf32, #tpu.memory_space<vmem>>) dst(%dma_wait3A_28 : memref<32x512xf32, #tpu.memory_space<hbm>>)
    %add3A_29 = arith.addf %scan3A_16#0, %scan3A_16#1 : vector<16xf32>
    %swap3A = arith.constant 0 : index
    %swap3A_30 = tpu.vector_load %arg9[%swap3A] {strides = array<i32>} : memref<16xf32, #tpu.memory_space<vmem>>, vector<16xf32>,
    %swap3A_31 = vector.shape_cast %swap3A_30 : vector<16xf32> to vector<16xf32>
    %swap3A_32 = vector.shape_cast %add3A_29 : vector<16xf32> to vector<16xf32>
    tpu.vector_store %arg9[%swap3A], %swap3A_32 {strides = array<i32>} : memref<16xf32, #tpu.memory_space<vmem>>, vector<16xf32>,
    "tpu.region"() ({
      %run_scoped3A = tpu.sem_alloc : memref<!tpu.dma_semaphore, #tpu.memory_space<semaphore_mem>>
      %dma_start3A_33 = arith.constant 0 : i32
      %dma_start3A_34 = tpu.memref_slice %arg4[%add3A, %dma_start3A_33] : memref<32x16xf32, #tpu.memory_space<hbm>> -> memref<1x16xf32, #tpu.memory_space<hbm>>
      %dma_start3A_35 = tpu.memref_squeeze %dma_start3A_34 : memref<1x16xf32, #tpu.memory_space<hbm>> -> memref<16xf32, #tpu.memory_space<hbm>>
      %dma_start3A_36 = arith.constant 0 : i32
      %dma_start3A_37 = tpu.memref_slice %arg4[%add3A, %dma_start3A_36] : memref<32x16xf32, #tpu.memory_space<hbm>> -> memref<1x16xf32, #tpu.memory_space<hbm>>
      %dma_start3A_38 = tpu.memref_squeeze %dma_start3A_37 : memref<1x16xf32, #tpu.memory_space<hbm>> -> memref<16xf32, #tpu.memory_space<hbm>>
      tpu.enqueue_dma source(%arg9 : memref<16xf32, #tpu.memory_space<vmem>>) target(%dma_start3A_38 : memref<16xf32, #tpu.memory_space<hbm>>) target_semaphore(%run_scoped3A : memref<!tpu.dma_semaphore, #tpu.memory_space<semaphore_mem>>)
      %dma_wait3A_39 = arith.constant 0 : i32
      %dma_wait3A_40 = tpu.memref_slice %arg4[%add3A, %dma_wait3A_39] : memref<32x16xf32, #tpu.memory_space<hbm>> -> memref<1x16xf32, #tpu.memory_space<hbm>>
      %dma_wait3A_41 = tpu.memref_squeeze %dma_wait3A_40 : memref<1x16xf32, #tpu.memory_space<hbm>> -> memref<16xf32, #tpu.memory_space<hbm>>
      %dma_wait3A_42 = arith.constant 0 : i32
      %dma_wait3A_43 = tpu.memref_slice %arg4[%add3A, %dma_wait3A_42] : memref<32x16xf32, #tpu.memory_space<hbm>> -> memref<1x16xf32, #tpu.memory_space<hbm>>
      %dma_wait3A_44 = tpu.memref_squeeze %dma_wait3A_43 : memref<1x16xf32, #tpu.memory_space<hbm>> -> memref<16xf32, #tpu.memory_space<hbm>>
      tpu.wait_dma2 semaphore(%run_scoped3A : memref<!tpu.dma_semaphore, #tpu.memory_space<semaphore_mem>>) src(%arg9 : memref<16xf32, #tpu.memory_space<vmem>>) dst(%dma_wait3A_44 : memref<16xf32, #tpu.memory_space<hbm>>)
      tpu.yield
    }) : () -> ()
    return
  }
}

module attributes {stable_mosaic.version = 14 : i64} {
  func.func @_tc_body(%arg0: i32, %arg1: memref<65536xf32, #tpu.memory_space<vmem>>, %arg2: memref<8x128xf32, #tpu.memory_space<vmem>>) attributes {dimension_semantics = [#tpu.dimension_semantics<arbitrary>], iteration_bounds = array<i64: 128>, scalar_prefetch = 0 : i64, scratch_operands = 0 : i64, tpu.core_type = #tpu.core_type<tc>, window_params = [{transform_indices = @transform_0, window_bounds = array<i64: 65536>}, {pipeline_mode = #tpu.pipeline_mode<synchronous>, transform_indices = @transform_1, window_bounds = array<i64: 8, 128>}]} {
    %eq3A = arith.constant 0 : i32
    %eq3A_0 = arith.cmpi eq, %arg0, %eq3A : i32
    %convert_element_type3A = arith.extui %eq3A_0 : i1 to i32
    %cond3A = arith.constant 0 : i32
    %cond3A_1 = arith.cmpi ne, %convert_element_type3A, %cond3A : i32
    scf.if %cond3A_1 {
      %broadcast_in_dim3A_138 = arith.constant 0.000000e+00 : f32
      %broadcast_in_dim3A_139 = vector.broadcast %broadcast_in_dim3A_138 : f32 to vector<8x128xf32>
      %swap3A_140 = arith.constant 0 : index
      %swap3A_141 = arith.constant 0 : index
      %swap3A_142 = vector.load %arg2[%swap3A_140, %swap3A_141] : memref<8x128xf32, #tpu.memory_space<vmem>>, vector<8x128xf32>
      tpu.vector_store %arg2[%swap3A_140, %swap3A_141], %broadcast_in_dim3A_139 {strides = array<i32>} : memref<8x128xf32, #tpu.memory_space<vmem>>, vector<8x128xf32>,
    } else {
    }
    %get3A = arith.constant 0 : index
    %get3A_2 = vector.load %arg1[%get3A] : memref<65536xf32, #tpu.memory_space<vmem>>, vector<65536xf32>
    %reshape3A = vector.shape_cast %get3A_2 : vector<65536xf32> to vector<512x128xf32>
    %gt3A = arith.constant 0.000000e+00 : f32
    %gt3A_3 = vector.broadcast %gt3A : f32 to vector<512x128xf32>
    %gt3A_4 = arith.cmpf ogt, %reshape3A, %gt3A_3 : vector<512x128xf32>
    %jit3A = arith.constant 1.000000e+00 : f32
    %jit3A_5 = arith.constant 0.000000e+00 : f32
    %broadcast_in_dim3A = vector.broadcast %jit3A : f32 to vector<512x128xf32>
    %broadcast_in_dim3A_6 = vector.broadcast %jit3A_5 : f32 to vector<512x128xf32>
    %select_n3A = arith.select %gt3A_4, %broadcast_in_dim3A, %broadcast_in_dim3A_6 : vector<512x128xi1>, vector<512x128xf32>
    %get3A_7 = arith.constant 0 : index
    %get3A_8 = arith.constant 0 : index
    %get3A_9 = vector.load %arg2[%get3A_7, %get3A_8] : memref<8x128xf32, #tpu.memory_space<vmem>>, vector<8x128xf32>
    %slice3A = vector.extract_strided_slice %select_n3A {offsets = [0, 0], sizes = [8, 128], strides = [1, 1]} : vector<512x128xf32> to vector<8x128xf32>
    %add3A = arith.addf %get3A_9, %slice3A : vector<8x128xf32>
    %slice3A_10 = vector.extract_strided_slice %select_n3A {offsets = [8, 0], sizes = [8, 128], strides = [1, 1]} : vector<512x128xf32> to vector<8x128xf32>
    %add3A_11 = arith.addf %add3A, %slice3A_10 : vector<8x128xf32>
    %slice3A_12 = vector.extract_strided_slice %select_n3A {offsets = [16, 0], sizes = [8, 128], strides = [1, 1]} : vector<512x128xf32> to vector<8x128xf32>
    %add3A_13 = arith.addf %add3A_11, %slice3A_12 : vector<8x128xf32>
    %slice3A_14 = vector.extract_strided_slice %select_n3A {offsets = [24, 0], sizes = [8, 128], strides = [1, 1]} : vector<512x128xf32> to vector<8x128xf32>
    %add3A_15 = arith.addf %add3A_13, %slice3A_14 : vector<8x128xf32>
    %slice3A_16 = vector.extract_strided_slice %select_n3A {offsets = [32, 0], sizes = [8, 128], strides = [1, 1]} : vector<512x128xf32> to vector<8x128xf32>
    %add3A_17 = arith.addf %add3A_15, %slice3A_16 : vector<8x128xf32>
    %slice3A_18 = vector.extract_strided_slice %select_n3A {offsets = [40, 0], sizes = [8, 128], strides = [1, 1]} : vector<512x128xf32> to vector<8x128xf32>
    %add3A_19 = arith.addf %add3A_17, %slice3A_18 : vector<8x128xf32>
    %slice3A_20 = vector.extract_strided_slice %select_n3A {offsets = [48, 0], sizes = [8, 128], strides = [1, 1]} : vector<512x128xf32> to vector<8x128xf32>
    %add3A_21 = arith.addf %add3A_19, %slice3A_20 : vector<8x128xf32>
    %slice3A_22 = vector.extract_strided_slice %select_n3A {offsets = [56, 0], sizes = [8, 128], strides = [1, 1]} : vector<512x128xf32> to vector<8x128xf32>
    %add3A_23 = arith.addf %add3A_21, %slice3A_22 : vector<8x128xf32>
    %slice3A_24 = vector.extract_strided_slice %select_n3A {offsets = [64, 0], sizes = [8, 128], strides = [1, 1]} : vector<512x128xf32> to vector<8x128xf32>
    %add3A_25 = arith.addf %add3A_23, %slice3A_24 : vector<8x128xf32>
    %slice3A_26 = vector.extract_strided_slice %select_n3A {offsets = [72, 0], sizes = [8, 128], strides = [1, 1]} : vector<512x128xf32> to vector<8x128xf32>
    %add3A_27 = arith.addf %add3A_25, %slice3A_26 : vector<8x128xf32>
    %slice3A_28 = vector.extract_strided_slice %select_n3A {offsets = [80, 0], sizes = [8, 128], strides = [1, 1]} : vector<512x128xf32> to vector<8x128xf32>
    %add3A_29 = arith.addf %add3A_27, %slice3A_28 : vector<8x128xf32>
    %slice3A_30 = vector.extract_strided_slice %select_n3A {offsets = [88, 0], sizes = [8, 128], strides = [1, 1]} : vector<512x128xf32> to vector<8x128xf32>
    %add3A_31 = arith.addf %add3A_29, %slice3A_30 : vector<8x128xf32>
    %slice3A_32 = vector.extract_strided_slice %select_n3A {offsets = [96, 0], sizes = [8, 128], strides = [1, 1]} : vector<512x128xf32> to vector<8x128xf32>
    %add3A_33 = arith.addf %add3A_31, %slice3A_32 : vector<8x128xf32>
    %slice3A_34 = vector.extract_strided_slice %select_n3A {offsets = [104, 0], sizes = [8, 128], strides = [1, 1]} : vector<512x128xf32> to vector<8x128xf32>
    %add3A_35 = arith.addf %add3A_33, %slice3A_34 : vector<8x128xf32>
    %slice3A_36 = vector.extract_strided_slice %select_n3A {offsets = [112, 0], sizes = [8, 128], strides = [1, 1]} : vector<512x128xf32> to vector<8x128xf32>
    %add3A_37 = arith.addf %add3A_35, %slice3A_36 : vector<8x128xf32>
    %slice3A_38 = vector.extract_strided_slice %select_n3A {offsets = [120, 0], sizes = [8, 128], strides = [1, 1]} : vector<512x128xf32> to vector<8x128xf32>
    %add3A_39 = arith.addf %add3A_37, %slice3A_38 : vector<8x128xf32>
    %slice3A_40 = vector.extract_strided_slice %select_n3A {offsets = [128, 0], sizes = [8, 128], strides = [1, 1]} : vector<512x128xf32> to vector<8x128xf32>
    %add3A_41 = arith.addf %add3A_39, %slice3A_40 : vector<8x128xf32>
    %slice3A_42 = vector.extract_strided_slice %select_n3A {offsets = [136, 0], sizes = [8, 128], strides = [1, 1]} : vector<512x128xf32> to vector<8x128xf32>
    %add3A_43 = arith.addf %add3A_41, %slice3A_42 : vector<8x128xf32>
    %slice3A_44 = vector.extract_strided_slice %select_n3A {offsets = [144, 0], sizes = [8, 128], strides = [1, 1]} : vector<512x128xf32> to vector<8x128xf32>
    %add3A_45 = arith.addf %add3A_43, %slice3A_44 : vector<8x128xf32>
    %slice3A_46 = vector.extract_strided_slice %select_n3A {offsets = [152, 0], sizes = [8, 128], strides = [1, 1]} : vector<512x128xf32> to vector<8x128xf32>
    %add3A_47 = arith.addf %add3A_45, %slice3A_46 : vector<8x128xf32>
    %slice3A_48 = vector.extract_strided_slice %select_n3A {offsets = [160, 0], sizes = [8, 128], strides = [1, 1]} : vector<512x128xf32> to vector<8x128xf32>
    %add3A_49 = arith.addf %add3A_47, %slice3A_48 : vector<8x128xf32>
    %slice3A_50 = vector.extract_strided_slice %select_n3A {offsets = [168, 0], sizes = [8, 128], strides = [1, 1]} : vector<512x128xf32> to vector<8x128xf32>
    %add3A_51 = arith.addf %add3A_49, %slice3A_50 : vector<8x128xf32>
    %slice3A_52 = vector.extract_strided_slice %select_n3A {offsets = [176, 0], sizes = [8, 128], strides = [1, 1]} : vector<512x128xf32> to vector<8x128xf32>
    %add3A_53 = arith.addf %add3A_51, %slice3A_52 : vector<8x128xf32>
    %slice3A_54 = vector.extract_strided_slice %select_n3A {offsets = [184, 0], sizes = [8, 128], strides = [1, 1]} : vector<512x128xf32> to vector<8x128xf32>
    %add3A_55 = arith.addf %add3A_53, %slice3A_54 : vector<8x128xf32>
    %slice3A_56 = vector.extract_strided_slice %select_n3A {offsets = [192, 0], sizes = [8, 128], strides = [1, 1]} : vector<512x128xf32> to vector<8x128xf32>
    %add3A_57 = arith.addf %add3A_55, %slice3A_56 : vector<8x128xf32>
    %slice3A_58 = vector.extract_strided_slice %select_n3A {offsets = [200, 0], sizes = [8, 128], strides = [1, 1]} : vector<512x128xf32> to vector<8x128xf32>
    %add3A_59 = arith.addf %add3A_57, %slice3A_58 : vector<8x128xf32>
    %slice3A_60 = vector.extract_strided_slice %select_n3A {offsets = [208, 0], sizes = [8, 128], strides = [1, 1]} : vector<512x128xf32> to vector<8x128xf32>
    %add3A_61 = arith.addf %add3A_59, %slice3A_60 : vector<8x128xf32>
    %slice3A_62 = vector.extract_strided_slice %select_n3A {offsets = [216, 0], sizes = [8, 128], strides = [1, 1]} : vector<512x128xf32> to vector<8x128xf32>
    %add3A_63 = arith.addf %add3A_61, %slice3A_62 : vector<8x128xf32>
    %slice3A_64 = vector.extract_strided_slice %select_n3A {offsets = [224, 0], sizes = [8, 128], strides = [1, 1]} : vector<512x128xf32> to vector<8x128xf32>
    %add3A_65 = arith.addf %add3A_63, %slice3A_64 : vector<8x128xf32>
    %slice3A_66 = vector.extract_strided_slice %select_n3A {offsets = [232, 0], sizes = [8, 128], strides = [1, 1]} : vector<512x128xf32> to vector<8x128xf32>
    %add3A_67 = arith.addf %add3A_65, %slice3A_66 : vector<8x128xf32>
    %slice3A_68 = vector.extract_strided_slice %select_n3A {offsets = [240, 0], sizes = [8, 128], strides = [1, 1]} : vector<512x128xf32> to vector<8x128xf32>
    %add3A_69 = arith.addf %add3A_67, %slice3A_68 : vector<8x128xf32>
    %slice3A_70 = vector.extract_strided_slice %select_n3A {offsets = [248, 0], sizes = [8, 128], strides = [1, 1]} : vector<512x128xf32> to vector<8x128xf32>
    %add3A_71 = arith.addf %add3A_69, %slice3A_70 : vector<8x128xf32>
    %slice3A_72 = vector.extract_strided_slice %select_n3A {offsets = [256, 0], sizes = [8, 128], strides = [1, 1]} : vector<512x128xf32> to vector<8x128xf32>
    %add3A_73 = arith.addf %add3A_71, %slice3A_72 : vector<8x128xf32>
    %slice3A_74 = vector.extract_strided_slice %select_n3A {offsets = [264, 0], sizes = [8, 128], strides = [1, 1]} : vector<512x128xf32> to vector<8x128xf32>
    %add3A_75 = arith.addf %add3A_73, %slice3A_74 : vector<8x128xf32>
    %slice3A_76 = vector.extract_strided_slice %select_n3A {offsets = [272, 0], sizes = [8, 128], strides = [1, 1]} : vector<512x128xf32> to vector<8x128xf32>
    %add3A_77 = arith.addf %add3A_75, %slice3A_76 : vector<8x128xf32>
    %slice3A_78 = vector.extract_strided_slice %select_n3A {offsets = [280, 0], sizes = [8, 128], strides = [1, 1]} : vector<512x128xf32> to vector<8x128xf32>
    %add3A_79 = arith.addf %add3A_77, %slice3A_78 : vector<8x128xf32>
    %slice3A_80 = vector.extract_strided_slice %select_n3A {offsets = [288, 0], sizes = [8, 128], strides = [1, 1]} : vector<512x128xf32> to vector<8x128xf32>
    %add3A_81 = arith.addf %add3A_79, %slice3A_80 : vector<8x128xf32>
    %slice3A_82 = vector.extract_strided_slice %select_n3A {offsets = [296, 0], sizes = [8, 128], strides = [1, 1]} : vector<512x128xf32> to vector<8x128xf32>
    %add3A_83 = arith.addf %add3A_81, %slice3A_82 : vector<8x128xf32>
    %slice3A_84 = vector.extract_strided_slice %select_n3A {offsets = [304, 0], sizes = [8, 128], strides = [1, 1]} : vector<512x128xf32> to vector<8x128xf32>
    %add3A_85 = arith.addf %add3A_83, %slice3A_84 : vector<8x128xf32>
    %slice3A_86 = vector.extract_strided_slice %select_n3A {offsets = [312, 0], sizes = [8, 128], strides = [1, 1]} : vector<512x128xf32> to vector<8x128xf32>
    %add3A_87 = arith.addf %add3A_85, %slice3A_86 : vector<8x128xf32>
    %slice3A_88 = vector.extract_strided_slice %select_n3A {offsets = [320, 0], sizes = [8, 128], strides = [1, 1]} : vector<512x128xf32> to vector<8x128xf32>
    %add3A_89 = arith.addf %add3A_87, %slice3A_88 : vector<8x128xf32>
    %slice3A_90 = vector.extract_strided_slice %select_n3A {offsets = [328, 0], sizes = [8, 128], strides = [1, 1]} : vector<512x128xf32> to vector<8x128xf32>
    %add3A_91 = arith.addf %add3A_89, %slice3A_90 : vector<8x128xf32>
    %slice3A_92 = vector.extract_strided_slice %select_n3A {offsets = [336, 0], sizes = [8, 128], strides = [1, 1]} : vector<512x128xf32> to vector<8x128xf32>
    %add3A_93 = arith.addf %add3A_91, %slice3A_92 : vector<8x128xf32>
    %slice3A_94 = vector.extract_strided_slice %select_n3A {offsets = [344, 0], sizes = [8, 128], strides = [1, 1]} : vector<512x128xf32> to vector<8x128xf32>
    %add3A_95 = arith.addf %add3A_93, %slice3A_94 : vector<8x128xf32>
    %slice3A_96 = vector.extract_strided_slice %select_n3A {offsets = [352, 0], sizes = [8, 128], strides = [1, 1]} : vector<512x128xf32> to vector<8x128xf32>
    %add3A_97 = arith.addf %add3A_95, %slice3A_96 : vector<8x128xf32>
    %slice3A_98 = vector.extract_strided_slice %select_n3A {offsets = [360, 0], sizes = [8, 128], strides = [1, 1]} : vector<512x128xf32> to vector<8x128xf32>
    %add3A_99 = arith.addf %add3A_97, %slice3A_98 : vector<8x128xf32>
    %slice3A_100 = vector.extract_strided_slice %select_n3A {offsets = [368, 0], sizes = [8, 128], strides = [1, 1]} : vector<512x128xf32> to vector<8x128xf32>
    %add3A_101 = arith.addf %add3A_99, %slice3A_100 : vector<8x128xf32>
    %slice3A_102 = vector.extract_strided_slice %select_n3A {offsets = [376, 0], sizes = [8, 128], strides = [1, 1]} : vector<512x128xf32> to vector<8x128xf32>
    %add3A_103 = arith.addf %add3A_101, %slice3A_102 : vector<8x128xf32>
    %slice3A_104 = vector.extract_strided_slice %select_n3A {offsets = [384, 0], sizes = [8, 128], strides = [1, 1]} : vector<512x128xf32> to vector<8x128xf32>
    %add3A_105 = arith.addf %add3A_103, %slice3A_104 : vector<8x128xf32>
    %slice3A_106 = vector.extract_strided_slice %select_n3A {offsets = [392, 0], sizes = [8, 128], strides = [1, 1]} : vector<512x128xf32> to vector<8x128xf32>
    %add3A_107 = arith.addf %add3A_105, %slice3A_106 : vector<8x128xf32>
    %slice3A_108 = vector.extract_strided_slice %select_n3A {offsets = [400, 0], sizes = [8, 128], strides = [1, 1]} : vector<512x128xf32> to vector<8x128xf32>
    %add3A_109 = arith.addf %add3A_107, %slice3A_108 : vector<8x128xf32>
    %slice3A_110 = vector.extract_strided_slice %select_n3A {offsets = [408, 0], sizes = [8, 128], strides = [1, 1]} : vector<512x128xf32> to vector<8x128xf32>
    %add3A_111 = arith.addf %add3A_109, %slice3A_110 : vector<8x128xf32>
    %slice3A_112 = vector.extract_strided_slice %select_n3A {offsets = [416, 0], sizes = [8, 128], strides = [1, 1]} : vector<512x128xf32> to vector<8x128xf32>
    %add3A_113 = arith.addf %add3A_111, %slice3A_112 : vector<8x128xf32>
    %slice3A_114 = vector.extract_strided_slice %select_n3A {offsets = [424, 0], sizes = [8, 128], strides = [1, 1]} : vector<512x128xf32> to vector<8x128xf32>
    %add3A_115 = arith.addf %add3A_113, %slice3A_114 : vector<8x128xf32>
    %slice3A_116 = vector.extract_strided_slice %select_n3A {offsets = [432, 0], sizes = [8, 128], strides = [1, 1]} : vector<512x128xf32> to vector<8x128xf32>
    %add3A_117 = arith.addf %add3A_115, %slice3A_116 : vector<8x128xf32>
    %slice3A_118 = vector.extract_strided_slice %select_n3A {offsets = [440, 0], sizes = [8, 128], strides = [1, 1]} : vector<512x128xf32> to vector<8x128xf32>
    %add3A_119 = arith.addf %add3A_117, %slice3A_118 : vector<8x128xf32>
    %slice3A_120 = vector.extract_strided_slice %select_n3A {offsets = [448, 0], sizes = [8, 128], strides = [1, 1]} : vector<512x128xf32> to vector<8x128xf32>
    %add3A_121 = arith.addf %add3A_119, %slice3A_120 : vector<8x128xf32>
    %slice3A_122 = vector.extract_strided_slice %select_n3A {offsets = [456, 0], sizes = [8, 128], strides = [1, 1]} : vector<512x128xf32> to vector<8x128xf32>
    %add3A_123 = arith.addf %add3A_121, %slice3A_122 : vector<8x128xf32>
    %slice3A_124 = vector.extract_strided_slice %select_n3A {offsets = [464, 0], sizes = [8, 128], strides = [1, 1]} : vector<512x128xf32> to vector<8x128xf32>
    %add3A_125 = arith.addf %add3A_123, %slice3A_124 : vector<8x128xf32>
    %slice3A_126 = vector.extract_strided_slice %select_n3A {offsets = [472, 0], sizes = [8, 128], strides = [1, 1]} : vector<512x128xf32> to vector<8x128xf32>
    %add3A_127 = arith.addf %add3A_125, %slice3A_126 : vector<8x128xf32>
    %slice3A_128 = vector.extract_strided_slice %select_n3A {offsets = [480, 0], sizes = [8, 128], strides = [1, 1]} : vector<512x128xf32> to vector<8x128xf32>
    %add3A_129 = arith.addf %add3A_127, %slice3A_128 : vector<8x128xf32>
    %slice3A_130 = vector.extract_strided_slice %select_n3A {offsets = [488, 0], sizes = [8, 128], strides = [1, 1]} : vector<512x128xf32> to vector<8x128xf32>
    %add3A_131 = arith.addf %add3A_129, %slice3A_130 : vector<8x128xf32>
    %slice3A_132 = vector.extract_strided_slice %select_n3A {offsets = [496, 0], sizes = [8, 128], strides = [1, 1]} : vector<512x128xf32> to vector<8x128xf32>
    %add3A_133 = arith.addf %add3A_131, %slice3A_132 : vector<8x128xf32>
    %slice3A_134 = vector.extract_strided_slice %select_n3A {offsets = [504, 0], sizes = [8, 128], strides = [1, 1]} : vector<512x128xf32> to vector<8x128xf32>
    %add3A_135 = arith.addf %add3A_133, %slice3A_134 : vector<8x128xf32>
    %swap3A = arith.constant 0 : index
    %swap3A_136 = arith.constant 0 : index
    %swap3A_137 = vector.load %arg2[%swap3A, %swap3A_136] : memref<8x128xf32, #tpu.memory_space<vmem>>, vector<8x128xf32>
    tpu.vector_store %arg2[%swap3A, %swap3A_136], %add3A_135 {strides = array<i32>} : memref<8x128xf32, #tpu.memory_space<vmem>>, vector<8x128xf32>,
    return
  }
  func.func @transform_0(%arg0: i32) -> i32 {
    %c0_i32 = arith.constant 0 : i32
    return %arg0 : i32
  }
  func.func @transform_1(%arg0: i32) -> (i32, i32) {
    %c0_i32 = arith.constant 0 : i32
    %c0_i32_0 = arith.constant 0 : i32
    %c0_i32_1 = arith.constant 0 : i32
    return %c0_i32, %c0_i32_0 : i32, i32
  }
}

</mosaic_0001>

<sc_bundles>
// kernel: kernel.4.cloned.1.call-start
scs
__scs_entry_jumppad:
0x0: {  	(pc) =	sbr.rel $0x88, $3  }
0x1: {  	(tag) =	ssettag $0x0;
	lr =	simm.s32 $0x1  }
0x2: {  	[smem:$0x3F9F] =	sst lr;
	_ =	strace $0xD0000000  }
0x3: {  	_ = 	snop  }
0x4: {  	_ = 	snop  }
0x5: {  	_ = 	snop  }
0x6: {  	_ = 	snop  }
0x7: {  	_ = 	snop  }
__scs_overlays_trampoline_lowered:
0x8: {  	[smem:$0x3FAE] =	sst s0  }
0x9: {  	[smem:$0x3FAF] =	sst s1  }
0xa: {  	[smem:$0x3FB0] =	sst s2  }
0xb: {  	[smem:$0x3FB1] =	sst s3  }
0xc: {  	[smem:$0x3FB2] =	sst s4  }
0xd: {  	[smem:$0x3FB3] =	sst s5  }
0xe: {  	[smem:$0x3FB4] =	sst s6  }
0xf: {  	[smem:$0x3FB5] =	sst s7  }
0x10: {  	[smem:$0x3FB6] =	sst s8  }
0x11: {  	[smem:$0x3FB7] =	sst s9;
	s0 =	simm.s32 @!p0 $0x0  }
0x12: {  	s1 =	sld [smem:$0x3F9D];
	s0 =	simm.s32 @p0 $0x1  }
0x13: {  	[smem:$0x3FB8] =	sst s0;
	s0 =	simm.s32 @!p1 $0x0  }
0x14: {  	s2 =	sld [smem:$0x3F9C];
	s0 =	simm.s32 @p1 $0x1  }
0x15: {  	[smem:$0x3FB9] =	sst s0;
	s0 =	simm.s32 @!p2 $0x0  }
0x16: {  	s3 =	sld [smem:$0x3FDB];
	s0 =	simm.s32 @p2 $0x1  }
0x17: {  	s4 =	simm.s32 $0x1BF5;
	[smem:$0x3FBB] =	sst s0  }
0x18: {  	s0 =	sld [smem:$0x3F9E];
	_ =	swait.ge [sflag:s4], $0x0  }
0x19: {  	s7 =	sld [smem:$0x3F9F]  }
0x1a: {  	s8 =	sadd.s32 $0xFFFFE003, lr  }
0x1b: {  	s9 =	sadd.s32 $0xFFFFFEF7, lr;
	s5 =	simm.s32 $0xFFFFFFFF;
	p2 =	slt.u32 s8, $0xFFFFF086  }
0x1c: {  	p1 =	slt.u32 s9, $0xF7A;
	s5 =	simm.s32 @!p2 $0x0  }
0x1d: {  	s5 =	simm.s32 @p1 $0x1;
	p0 =	seq.s32 s7, s2  }
0x1e: {  	s7 =	smul.u32 @!p0 $0xF7A, s2;
	p2 =	seq.s32 @!p0 s5, $0x0  }
0x1f: {  	s9 =	smul.u32 $0xF7A, s1;
	s8 =	simm.s32 @!p0 $0x1BF5;
	p2 =	por !p2, p0  }
0x20: {  	[sflag:s8] =	ssyncset.s32 @!p0 $0xFFFFF086;
	s6 =	sadd.s32 @!p0 s3, s7;
	s7 =	simm.s32 @!p0 $0x108  }
0x21: {  	s3 =	sadd.s32 s3, s9;
	s6 =	sadd.s32 @!p0 $0x88, s6;
	s7 =	simm.s32 @p2 $0x1082  }
0x22: {  	[simem:s7], [sflag:s8] =	dma.local @!p0 [hbm:s6], $0xF7A  }
0x23: {  	s9 =	sor.u32 $0xD0000000, s2;
	s6 =	simm.s32 $0x108;
	_ =	swait.ge @!p0 [sflag:s8], $0x0  }
0x24: {  	s3 =	sadd.s32 $0x88, s3;
	s6 =	simm.s32 @!p1 $0x1082;
	[sflag:s4] =	ssyncset.s32 $0xFFFFF086  }
0x25: {  	[simem:s6], [sflag:s4] =	dma.local [hbm:s3], $0xF7A  }
0x26: {  	[smem:$0x3F9F] =	sst s1;
	(tag) =	ssettag s2;
	_ =	strace s9  }
0x27: {  	s1 =	sld [smem:$0x3FAF]  }
0x28: {  	s2 =	sld [smem:$0x3FB0]  }
0x29: {  	s4 =	sld [smem:$0x3FB2]  }
0x2a: {  	p0 =	seq.s32 s5, $0x0;
	s5 =	sld [smem:$0x3FB3]  }
0x2b: {  	s6 =	sld [smem:$0x3FB4]  }
0x2c: {  	s7 =	sld [smem:$0x3FB5]  }
0x2d: {  	s3 =	simm.s32 $0x108;
	s8 =	sld [smem:$0x3FB6]  }
0x2e: {  	s3 =	simm.s32 @!p0 $0x1082;
	s9 =	sld [smem:$0x3FB7]  }
0x2f: {  	lr =	sadd.s32 s0, s3;
	s0 =	sld [smem:$0x3FAE]  }
0x30: {  	s3 =	sld [smem:$0x3FB1]  }
0x31: {  	[smem:$0x3FBA] =	sst s10  }
0x32: {  	s10 =	sld [smem:$0x3FB8];
	_ =	sdelay $0x3  }
0x33: {  	p0 =	seq.s32 s10, $0x1;
	s10 =	sld [smem:$0x3FBA];
	_ =	sdelay $0x3  }
0x34: {  	[smem:$0x3FBA] =	sst s10  }
0x35: {  	s10 =	sld [smem:$0x3FB9];
	_ =	sdelay $0x3  }
0x36: {  	p1 =	seq.s32 s10, $0x1;
	s10 =	sld [smem:$0x3FBA];
	_ =	sdelay $0x3  }
0x37: {  	[smem:$0x3FBA] =	sst s10  }
0x38: {  	s10 =	sld [smem:$0x3FBB]  }
0x39: {  	_ = 	snop;
	(pc) =	sbr.ind lr, $3  }
0x3a: {  	_ = 	snop  }
0x3b: {  	_ = 	snop  }
0x3c: {  	p2 =	seq.s32 s10, $0x1;
	s10 =	sld [smem:$0x3FBA]  }
0x3d: {  	_ =	shalt  }
0x3e: {  	_ =	shalt  }
0x3f: {  	_ =	shalt  }
0x40: {  	_ =	shalt  }
0x41: {  	_ =	shalt  }
0x42: {  	_ =	shalt  }
0x43: {  	_ =	shalt  }
0x44: {  	_ =	shalt  }
0x45: {  	_ =	shalt  }
0x46: {  	_ =	shalt  }
0x47: {  	_ =	shalt  }
0x48: {  	_ =	shalt  }
0x49: {  	_ =	shalt  }
0x4a: {  	_ =	shalt  }
0x4b: {  	_ =	shalt  }
0x4c: {  	_ =	shalt  }
0x4d: {  	_ =	shalt  }
0x4e: {  	_ =	shalt  }
0x4f: {  	_ =	shalt  }
0x50: {  	_ =	shalt  }
0x51: {  	_ =	shalt  }
0x52: {  	_ =	shalt  }
0x53: {  	_ =	shalt  }
0x54: {  	_ =	shalt  }
0x55: {  	_ =	shalt  }
0x56: {  	_ =	shalt  }
0x57: {  	_ =	shalt  }
0x58: {  	_ =	shalt  }
0x59: {  	_ =	shalt  }
0x5a: {  	_ =	shalt  }
0x5b: {  	_ =	shalt  }
0x5c: {  	_ =	shalt  }
0x5d: {  	_ =	shalt  }
0x5e: {  	_ =	shalt  }
0x5f: {  	_ =	shalt  }
0x60: {  	_ =	shalt  }
0x61: {  	_ =	shalt  }
0x62: {  	_ =	shalt  }
0x63: {  	_ =	shalt  }
0x64: {  	_ =	shalt  }
0x65: {  	_ =	shalt  }
0x66: {  	_ =	shalt  }
0x67: {  	_ =	shalt  }
0x68: {  	_ =	shalt  }
0x69: {  	_ =	shalt  }
0x6a: {  	_ =	shalt  }
0x6b: {  	_ =	shalt  }
0x6c: {  	_ =	shalt  }
0x6d: {  	_ =	shalt  }
0x6e: {  	_ =	shalt  }
0x6f: {  	_ =	shalt  }
0x70: {  	_ =	shalt  }
0x71: {  	_ =	shalt  }
0x72: {  	_ =	shalt  }
0x73: {  	_ =	shalt  }
0x74: {  	_ =	shalt  }
0x75: {  	_ =	shalt  }
0x76: {  	_ =	shalt  }
0x77: {  	_ =	shalt  }
0x78: {  	_ =	shalt  }
0x79: {  	_ =	shalt  }
0x7a: {  	_ =	shalt  }
0x7b: {  	_ =	shalt  }
0x7c: {  	_ =	shalt  }
0x7d: {  	_ =	shalt  }
0x7e: {  	_ =	shalt  }
0x7f: {  	_ =	shalt  }
0x80: {  	_ =	shalt  }
0x81: {  	_ =	shalt  }
0x82: {  	_ =	shalt  }
0x83: {  	_ =	shalt  }
0x84: {  	_ =	shalt  }
0x85: {  	_ =	shalt  }
0x86: {  	_ =	shalt  }
0x87: {  	_ =	shalt  }
.Lfunc_end0:
.L_simem_size_0:
called_computation_lowered:
.L_overlay_start_0:
0x88: {  	s2 =	sld [smem:$0x3FD9]  }
0x89: {  	s3 =	sld [smem:$0x3FFE];
	_ =	sdelay $0x1  }
0x8a: {  	s1 =	srdreg.scid  }
0x8b: {  	s0 =	sand.u32 $0x1, s1  }
0x8c: {  	s14 =	sshll.u32 s0, $0xA;
	s2 =	sadd.s32 s3, s2  }
0x8d: {  	s2 =	sadd.s32 s2, s14  }
0x8e: {  	[smem:$0x3FC6] =	sst s2  }
0x8f: {  	_ = 	snop  }
0x90: {  	s2 =	sld [smem:$0x3FD0];
	_ =	sdelay $0x2  }
0x91: {  	s4 =	simm.s32 $0xA;
	s5 =	simm.s32 $0x10;
	s15 =	sld [smem:$0x3FC9]  }
0x92: {  	[smem:s5], [sflag:s4] =	dma.local [hbm:s2], $0x1  }
0x93: {  	_ =	swait.eq [sflag:s4], $0x1  }
0x94: {  	[sflag:s4] =	ssyncset.done $0x0  }
0x95: {  	[sflag:s4] =	ssyncadd.s32 $0xFFFFFFFF  }
0x96: {  	s16 =	sld [smem:$0x10];
	(tm) =	ssettm $0x1  }
0x97: {  	s17 =	sld [smem:$0x3FFB];
	_ =	sdelay $0x3  }
0x98: {  	_ =	strace s17  }
0x99: {  	s4 =	sld [smem:$0x3FFC];
	_ =	sdelay $0x3  }
0x9a: {  	_ =	strace s4  }
0x9b: {  	s4 =	sld [smem:$0x3FFD];
	_ =	sdelay $0x3  }
0x9c: {  	_ =	strace s4  }
0x9d: {  	_ =	strace $0x8FFFFFFF  }
0x9e: {  	s18 =	sld [smem:$0x3FDB];
	_ =	sdelay $0x1  }
0x9f: {  	s19 =	simm.s32 $_scs_section_size  }
0xa0: {  	s6 =	simm.s32 $_size__tile_overlayer_lowered;
	s7 =	simm.s32 $_tile_overlayer_lowered  }
0xa1: {  	s22 =	simm.s32 $0x1BFF;
	s21 =	sshll.u32 s7, $0x1;
	s4 =	sadd.s32 s19, s18  }
0xa2: {  	s8 =	simm.s32 $0x0;
	s20 =	sshll.u32 s6, $0x1;
	s6 =	sadd.s32 s21, s4  }
0xa3: {  	[timem:s8], [sflag:s22] =	dma.local [hbm:s6], s20  }
0xa4: {  	_ =	swait.ge [sflag:s22], s20  }
0xa5: {  	s5 =	ssub.s32 $0x0, s20;
	[sflag:s22] =	ssyncset.done $0x0  }
0xa6: {  	[sflag:s22] =	ssyncadd.s32 s5;
	_ =	sdelay $0x1  }
0xa7: {  	s23 =	simm.s32 $0x1B8B  }
0xa8: {  	_ =	swait.ge [sflag:s23], $0x1  }
0xa9: {  	[sflag:s23] =	ssyncset.done $0x0  }
0xaa: {  	s25 =	simm.s32 $0x1B8E;
	s24 =	sld [smem:$0x3FFE];
	[sflag:s23] =	ssyncadd.s32 $0xFFFFFFFF  }
0xab: {  	s26 =	simm.s32 $execute0_lowered;
	[smem:$0x3FD2] =	sst s25  }
0xac: {  	s6 =	sshll.u32 s26, $0x1;
	_ =	strace $0x80000046;
	[dreg:$0x1] =	wrdreg $0xFFFFFFFF  }
0xad: {  	s28 =	simm.s32 $_size_execute0_lowered;
	s4 =	sadd.s32 s4, s6;
	[dreg:$0x0] =	wrdreg $0x0  }
0xae: {  	s6 =	sshll.u32 s28, $0x1;
	[dreg:$0x2] =	wrdreg s4  }
0xaf: {  	[dreg:$0x3] =	wrdreg s6  }
0xb0: {  	[dreg:$0x4] =	wrdreg $0xC0  }
0xb1: {  	_ =	task [dreg:s8], $0x5FFFF  }
0xb2: {  	[dreg:$0x1] =	wrdreg $0xFFFFFFFF  }
0xb3: {  	[dreg:$0x0] =	wrdreg $0x60  }
0xb4: {  	[dreg:$0x2] =	wrdreg s15  }
0xb5: {  	[dreg:$0x3] =	wrdreg s16  }
0xb6: {  	[dreg:$0x4] =	wrdreg s24  }
0xb7: {  	[dreg:$0x5] =	wrdreg $0x9  }
0xb8: {  	_ =	task.clear_ibuf [dreg:s8], $0x6FFFF;
	_ =	strace $0x90000046  }
0xb9: {  	s29 =	simm.s32 $0x9;
	_ =	strace $0x80000048  }
0xba: {  	_ =	swait.ge [sflag:s29], $0x1  }
0xbb: {  	[sflag:s29] =	ssyncadd.s32 $0xFFFFFFFF  }
0xbc: {  	_ =	strace $0x90000048  }
0xbd: {  	_ =	sfence  }
0xbe: {  	s30 =	sld [smem:$0x0];
	_ =	sdelay $0x2  }
0xbf: {  	s31 =	sshll.u32 s1, $0xD;
	s1 =	sshrl.u32 s1, $0x2  }
0xc0: {  	s3 =	sand.u32 $0x4000, s31;
	s1 =	sadd.s32 s1, s30  }
0xc1: {  	s0 =	sor.u32 s3, s0;
	s1 =	sshll.u32 s1, $0x11  }
0xc2: {  	s0 =	sor.u32 s1, s0  }
0xc3: {  	s0 =	sadd.s32 $0x8F2B, s0  }
0xc4: {  	[sflag:s0] =	ssyncadd.remote.s32 $0x1  }
0xc5: {  	_ =	sfence.sel $0xFFFF  }
0xc6: {  	[dreg:$0x0] =	wrdreg $0xFFFFFFFF;
	(pc) =	sbr.abs _section_cstart, $3  }
0xc7: {  	[dreg:$0x1] =	wrdreg $0xFFFFFFFF  }
0xc8: {  	_ =	task.clear_ibuf [dreg:s8], $0x2FFFF;
	_ =	strace $0x9FFFFFFF  }
0xc9: {  	(tm) =	ssettm $0x7FFFFFFF  }
tec
execute0_lowered:
.L_overlay_start_1:
0x0: {  	(tag) =	ssettag $0x1  }
0x1: {  	s2 =	rddreg [dreg:$0x0]  }
0x2: {  	s6 =	rddreg [dreg:$0x1]  }
0x3: {  	s9 =	rddreg [dreg:$0x2];
	s3 =	srdreg.scid  }
0x4: {  	s1 =	stileid.u32;
	s0 =	rddreg [dreg:$0x3]  }
0x5: {  	s13 =	simm.s32 $0x8000;
	s14 =	simm.s32 $0x2;
	s15 =	simm.s32 $0x4  }
0x6: {  	s16 =	simm.s32 $0xC000;
	s17 =	simm.s32 $0x3;
	s18 =	simm.s32 $0x10000  }
0x7: {  	s19 =	simm.s32 $0x5;
	s20 =	simm.s32 $0x0;
	s4 =	sand.u32 $0x1, s3  }
0x8: {  	s5 =	sshll.u32 s1, $0x1;
	s3 =	simm.s32 $0x0;
	s7 =	ssub.s32 $0x2, s4  }
0x9: {  	s10 =	sor.u32 s4, s5;
	[smem:$0x7FF] =	sst s3;
	s31 =	sshrl.u32 s7, $0x1  }
.Ltmp0:
0xa: {  	s8 =	sshll.u32 s10, $0xF;
	_ =	strace $0x80000047;
	(pc) =	sbr.rel .LBB2_1-.Ltmp0, $4  }
0xb: {  	s12 =	sshll.u32 s10, $0x12;
	s10 =	sshll.u32 s10, $0x4;
	s11 =	ssub.s32 s7, s31  }
0xc: {  	s4 =	sadd.s32 s2, s8;
	s6 =	sadd.s32 s6, s8;
	s7 =	sor.u32 $0x8000, s12  }
0xd: {  	s8 =	sor.u32 $0xC000, s12;
	s9 =	sadd.s32 s9, s10;
	s12 =	simm.s32 $0x1  }
0xe: {  	v0 =	vimm.f32 $0.0e+00;
	s5 =	sadd.s32 $0x800, s4;
	s10 =	smax.u32 s11, $0x1;
	s11 =	simm.s32 $0x4000  }
.LBB2_12:
0xf: {  	_ =	swait.ge [sflag:s17], $0x4000  }
0x10: {  	[sflag:s17] =	ssyncset.done $0x0  }
0x11: {  	[sflag:s17] =	ssyncadd.s32 $0xFFFFC000  }
0x12: {  	_ =	swait.ge [sflag:s15], $0x4000  }
0x13: {  	s20 =	sadd.s32 $0x1, s20;
	v1 =	vadd.f32 v1, v2;
	[sflag:s15] =	ssyncset.done $0x0  }
0x14: {  	p0 =	sne.s32 s20, s10;
	[sflag:s15] =	ssyncadd.s32 $0xFFFFC000  }
.Ltmp1:
0x15: {  	[tilespmem:$0x10000] =	vst v1;
	(pc) =	sbr.rel @!p0 .LBB2_13-.Ltmp1, $4  }
0x16: {  	[hbm4b:s9+s3] =	stream.linear.scatter [tilespmem:s18], [sflag:$0x5], $0x80, $0x38;
	[tilespmem:$0x10080] =	vst v63  }
0x17: {  	_ =	swait.ge [sflag:s19], $0x80  }
0x18: {  	[sflag:s19] =	ssyncset.done $0x0  }
0x19: {  	[sflag:s19] =	ssyncadd.s32 $0xFFFFFF80  }
.LBB2_1:
0x1a: {  	[tilespmem:s3], [sflag:$0x1] =	stream.linear.gather [hbm4b:s4+s3], $0x4000, $0x38;
	[tilespmem:$0x10080] =	vst v63  }
0x1b: {  	s21 =	simm.s32 $0x0  }
0x1c: {  	v1 =	vimm.f32 $0.0e+00;
	v2 =	vimm.f32 $0.0e+00;
	[tilespmem:s11], [sflag:$0x2] =	stream.linear.gather [hbm4b:s5+s3], $0x4000, $0x38;
	[tilespmem:$0x10080] =	vst v63  }
.LBB2_2:
0x1d: {  	_ =	swait.ge [sflag:s12], $0x4000  }
0x1e: {  	p0 =	seq.s32 s21, $0x0;
	[sflag:s12] =	ssyncset.done $0x0  }
0x1f: {  	s22 =	simm.s32 @!p0 $0x3;
	[sflag:s12] =	ssyncadd.s32 $0xFFFFC000  }
0x20: {  	_ =	swait.ge @!p0 [sflag:s22], $0x4000  }
0x21: {  	[sflag:s22] =	ssyncset.done @!p0 $0x0  }
0x22: {  	s30 =	simm.s32 $0x10;
	[sflag:s22] =	ssyncadd.s32 @!p0 $0xFFFFC000  }
0x23: {  	v3 =	vld [tilespmem:s30+$0xFFFFFFF0];
	_ =	sdelay $0x1  }
0x24: {  	s23 =	simm.s32 $0x0;
	s24 =	simm.s32 $0x0  }
0x25: {  	s25 =	sand.u32 $0x60, s24;
	s26 =	sand.u32 $0xC00, s23  }
0x26: {  	s28 =	sand.u32 $0x3000, s24;
	s25 =	sor.u32 s25, s26  }
0x27: {  	s31 =	sand.u32 $0x380, s23;
	s25 =	sor.u32 s28, s25;
	vm0 =	vgt.f32 v3, $5.000000000e-01  }
0x28: {  	s25 =	sor.u32 s31, s25;
	v3 =	vsel vm0, $0x3F800000, v0  }
0x29: {  	[tilespmem:s25+$0x8000] =	vst v3  }
0x2a: {  	v4 =	vld [tilespmem:s30+$0x0];
	_ =	sdelay $0x4  }
0x2b: {  	vm15 =	vgt.f32 v4, $5.000000000e-01  }
0x2c: {  	v4 =	vsel vm15, $0x3F800000, v0  }
0x2d: {  	s26 =	simm.s32 $0x0;
	s22 =	sshll.u32 s21, $0xF;
	v2 =	vadd.f32 v3, v2;
	[tilespmem:s25+$0x8010] =	vst v4;
	v1 =	vadd.f32 v4, v1;
	s25 =	simm.s32 $0x30  }
.LBB2_3:
0x2e: {  	v3 =	vld [tilespmem:s25+$0xFFFFFFF0];
	_ =	sdelay $0x1  }
0x2f: {  	s24 =	sadd.s32 $0x20, s24;
	s23 =	sadd.s32 $0x100, s23  }
0x30: {  	s28 =	sand.u32 $0x60, s24;
	s29 =	sand.u32 $0xC00, s23;
	p1 =	slt.u32 s24, $0x3FE0  }
0x31: {  	s26 =	sadd.s32 $0x8, s26;
	s30 =	sand.u32 $0x3000, s24;
	s28 =	sor.u32 s28, s29  }
0x32: {  	s29 =	sand.u32 $0x380, s26;
	s28 =	sor.u32 s30, s28;
	vm0 =	vgt.f32 v3, $5.000000000e-01  }
0x33: {  	s28 =	sor.u32 s29, s28;
	v3 =	vsel vm0, $0x3F800000, v0  }
0x34: {  	[tilespmem:s28+$0x8000] =	vst v3;
	v2 =	vadd.f32 v3, v2  }
0x35: {  	v3 =	vld [tilespmem:s25+$0x0];
	_ =	sdelay $0x2  }
.Ltmp2:
0x36: {  	(pc) =	sbr.rel @p1 .LBB2_3-.Ltmp2, $4  }
0x37: {  	_ = 	snop  }
0x38: {  	vm0 =	vgt.f32 v3, $5.000000000e-01  }
0x39: {  	v3 =	vsel vm0, $0x3F800000, v0  }
0x3a: {  	s25 =	sadd.s32 $0x20, s25;
	[tilespmem:s28+$0x8010] =	vst v3;
	v1 =	vadd.f32 v3, v1  }
0x3b: {  	p1 =	sne.s32 s21, $0x7  }
.Ltmp3:
0x3c: {  	_ = 	snop;
	(pc) =	sbr.rel @p1 .LBB2_6-.Ltmp3, $4  }
0x3d: {  	_ = 	snop  }
0x3e: {  	s23 =	sshll.u32 s21, $0xC  }
0x3f: {  	s23 =	sadd.s32 s23, s6  }
0x40: {  	[hbm4b:s23+s3] =	stream.linear.scatter [tilespmem:s13], [sflag:$0x3], $0x4000, $0x38;
	[tilespmem:$0x10080] =	vst v63  }
.Ltmp4:
0x41: {  	(pc) =	sbr.rel .LBB2_7-.Ltmp4, $4  }
0x42: {  	_ = 	snop  }
0x43: {  	_ =	swait.ge [sflag:s14], $0x4000  }
0x44: {  	[sflag:s14] =	ssyncset.done $0x0  }
0x45: {  	[sflag:s14] =	ssyncadd.s32 $0xFFFFC000  }
.LBB2_6:
0x46: {  	s24 =	sadd.s32 s22, s7  }
0x47: {  	s24 =	sshrl.u32 s24, $0x3  }
.Ltmp5:
0x48: {  	s24 =	sadd.s32 s2, s24;
	(pc) =	sbr.rel @p0 .LBB2_8-.Ltmp5, $4  }
0x49: {  	[tilespmem:s3], [sflag:$0x1] =	stream.linear.gather [hbm4b:s24+s3], $0x4000, $0x38;
	[tilespmem:$0x10080] =	vst v63  }
0x4a: {  	_ =	swait.ge [sflag:s14], $0x4000  }
0x4b: {  	[sflag:s14] =	ssyncset.done $0x0  }
0x4c: {  	[sflag:s14] =	ssyncadd.s32 $0xFFFFC000  }
.LBB2_7:
0x4d: {  	_ =	swait.ge [sflag:s15], $0x4000  }
0x4e: {  	[sflag:s15] =	ssyncset.done $0x0  }
0x4f: {  	[sflag:s15] =	ssyncadd.s32 $0xFFFFC000  }
.LBB2_8:
0x50: {  	s26 =	simm.s32 $0x4010  }
0x51: {  	v3 =	vld [tilespmem:s26+$0xFFFFFFF0];
	_ =	sdelay $0x1  }
0x52: {  	s24 =	simm.s32 $0x0;
	s25 =	simm.s32 $0x0  }
0x53: {  	s28 =	sand.u32 $0x60, s25;
	s29 =	sand.u32 $0xC00, s24  }
0x54: {  	s30 =	sand.u32 $0x3000, s25;
	s28 =	sor.u32 s28, s29  }
0x55: {  	s31 =	sand.u32 $0x380, s24;
	s28 =	sor.u32 s30, s28;
	vm0 =	vgt.f32 v3, $5.000000000e-01  }
0x56: {  	s28 =	sor.u32 s31, s28;
	v3 =	vsel vm0, $0x3F800000, v0  }
0x57: {  	[tilespmem:s28+$0xC000] =	vst v3  }
0x58: {  	v4 =	vld [tilespmem:s26+$0x0];
	_ =	sdelay $0x4  }
0x59: {  	vm15 =	vgt.f32 v4, $5.000000000e-01  }
0x5a: {  	v4 =	vsel vm15, $0x3F800000, v0  }
0x5b: {  	v2 =	vadd.f32 v3, v2;
	s26 =	simm.s32 $0x4030;
	[tilespmem:s28+$0xC010] =	vst v4;
	v1 =	vadd.f32 v4, v1;
	s28 =	simm.s32 $0x0  }
.LBB2_9:
0x5c: {  	v3 =	vld [tilespmem:s26+$0xFFFFFFF0];
	_ =	sdelay $0x1  }
0x5d: {  	s25 =	sadd.s32 $0x20, s25;
	s24 =	sadd.s32 $0x100, s24  }
0x5e: {  	s29 =	sand.u32 $0x60, s25;
	s30 =	sand.u32 $0xC00, s24;
	p0 =	slt.u32 s25, $0x3FE0  }
0x5f: {  	s28 =	sadd.s32 $0x8, s28;
	s31 =	sand.u32 $0x3000, s25;
	s29 =	sor.u32 s29, s30  }
0x60: {  	s30 =	sand.u32 $0x380, s28;
	s29 =	sor.u32 s31, s29;
	vm0 =	vgt.f32 v3, $5.000000000e-01  }
0x61: {  	s29 =	sor.u32 s30, s29;
	v3 =	vsel vm0, $0x3F800000, v0  }
0x62: {  	[tilespmem:s29+$0xC000] =	vst v3;
	v2 =	vadd.f32 v3, v2  }
0x63: {  	v3 =	vld [tilespmem:s26+$0x0];
	_ =	sdelay $0x2  }
.Ltmp6:
0x64: {  	(pc) =	sbr.rel @p0 .LBB2_9-.Ltmp6, $4  }
0x65: {  	_ = 	snop  }
0x66: {  	vm0 =	vgt.f32 v3, $5.000000000e-01  }
0x67: {  	v3 =	vsel vm0, $0x3F800000, v0  }
0x68: {  	s26 =	sadd.s32 $0x20, s26;
	[tilespmem:s29+$0xC010] =	vst v3;
	v1 =	vadd.f32 v3, v1  }
0x69: {  	p0 =	seq.s32 s21, $0x7  }
.Ltmp7:
0x6a: {  	_ = 	snop;
	(pc) =	sbr.rel @p0 .LBB2_12-.Ltmp7, $3  }
0x6b: {  	_ =	sdelay $0x1  }
0x6c: {  	s23 =	sadd.s32 $0x800, s23  }
0x6d: {  	[hbm4b:s23+s3] =	stream.linear.scatter [tilespmem:s16], [sflag:$0x4], $0x4000, $0x38;
	[tilespmem:$0x10080] =	vst v63  }
.Ltmp8:
0x6e: {  	(pc) =	sbr.rel .LBB2_2-.Ltmp8, $4  }
0x6f: {  	s22 =	sadd.s32 s22, s8  }
0x70: {  	s22 =	sshrl.u32 s22, $0x3  }
0x71: {  	s21 =	sadd.s32 $0x1, s21;
	s22 =	sadd.s32 s2, s22  }
0x72: {  	[tilespmem:s11], [sflag:$0x2] =	stream.linear.gather [hbm4b:s22+s3], $0x4000, $0x38;
	[tilespmem:$0x10080] =	vst v63  }
.LBB2_13:
0x73: {  	_ =	sfence.sel $0x180000  }
0x74: {  	[bflag:$0x0] =	sbarrier.arrive $0xFFFF  }
0x75: {  	p0 =	sne.s32 s1, $0x0;
	_ =	strace $0x90000047  }
0x76: {  	s0 =	sadd.s32 @!p0 $0x100000, s0;
	[bflag:$0x2] =	sbarrier.arrive $0xFFFF  }
0x77: {  	[sflag:s0] =	ssyncadd.tile.s32 @!p0 $0x1;
	_ =	shalt  }
.Lfunc_end2:
_tile_overlayer_lowered:
.L_overlay_start_2:
0x78: {  	(tag) =	ssettag $0x2  }
0x79: {  	s0 =	rddreg [dreg:$0x0];
	s2 =	stileid.u32  }
0x7a: {  	s1 =	rddreg [dreg:$0x1];
	p0 =	sne.s32 s2, $0x0  }
0x7b: {  	s3 =	rddreg [dreg:$0x2];
	[bflag:$0x3] =	sbarrier.arrive $0xFFFF;
	s2 =	simm.s32 @!p0 $0x1C05  }
0x7c: {  	[timem:s3], [sflag:s2] =	dma.local @!p0 [hbm:s0], s1  }
0x7d: {  	s0 =	simm.s32 @!p0 $0x5  }
0x7e: {  	_ =	swait.ge @!p0 [sflag:s0], s1  }
0x7f: {  	s1 =	ssub.s32 @!p0 $0x0, s1;
	[sflag:s0] =	ssyncset.done @!p0 $0x0  }
0x80: {  	[sflag:s0] =	ssyncadd.s32 @!p0 s1  }
0x81: {  	[bflag:$0x3] =	sbarrier.arrive $0xFFFF  }
0x82: {  	_ =	shalt  }

</sc_bundles>
